<compile_context>
chip_gen: v7x
topology: tpu7x:2x2x1
jax: 0.10.2.dev20260603
libtpu: 0.0.44.dev20260713+nightly
codegen_flags: <defaults>
</compile_context>

<pallas_src>
import functools

import jax
import jax.numpy as jnp
import numpy as np
from jax import lax
from jax.experimental import pallas as pl
from jax.experimental.pallas import tpu as pltpu
from jax.experimental.pallas import tpu_sc as plsc

_NUM_SUMS = 3
_BVR_LEN = 64
_NUM_CACHE = 128
_P = 2 ** _NUM_SUMS
_LB = 256

_COMBS = ((np.arange(_P)[:, None] >> np.arange(_NUM_SUMS - 1, -1, -1)[None, :]) & 1)


def _sbvr_kernel(p_smem, x_ref, out_ref):
    x = x_ref[...]

    inf = jnp.full((1, _LB), jnp.inf, dtype=jnp.float32)
    zero_row = jnp.zeros((1, _LB), dtype=jnp.float32)
    init = (inf, jnp.zeros((1, _LB), dtype=jnp.int32)) + tuple(
        zero_row for _ in range(_P))

    def c_body(c, carry):
        best_mse, best_idx = carry[0], carry[1]
        sps = carry[2:]
        md = None
        for j in range(_P):
            t = x - p_smem[c, j]
            d = t * t
            md = d if md is None else jnp.minimum(md, d)
        mse_c = jnp.sum(md, axis=0, keepdims=True)
        upd = mse_c < best_mse
        best_mse = jnp.where(upd, mse_c, best_mse)
        best_idx = jnp.where(upd, c, best_idx)
        new_sps = tuple(
            jnp.where(upd, p_smem[c, j], sps[j]) for j in range(_P))
        return (best_mse, best_idx) + new_sps

    carry = jax.lax.fori_loop(0, _NUM_CACHE, c_body, init, unroll=4)
    sps = carry[2:]

    q = None
    dbest = None
    for j in range(_P):
        spb = jnp.broadcast_to(sps[j], (_BVR_LEN, _LB))
        t = x - spb
        d = t * t
        if j == 0:
            q, dbest = spb, d
        else:
            upd = d < dbest
            dbest = jnp.where(upd, d, dbest)
            q = jnp.where(upd, spb, q)
    out_ref[...] = q


_G_SC = 4096
_NW = 32
_GPW = _G_SC // _NW
_NT = _GPW // 16


def _sc_sbvr(points_flat, xt_sc):
    mesh = plsc.VectorSubcoreMesh(core_axis_name="c", subcore_axis_name="s")
    cp = pltpu.CompilerParams()
    if "needs_layout_passes" in pltpu.CompilerParams.__dataclass_fields__:
        import dataclasses
        cp = dataclasses.replace(cp, needs_layout_passes=False)

    @functools.partial(
        pl.kernel, mesh=mesh, compiler_params=cp,
        out_type=jax.ShapeDtypeStruct((_BVR_LEN, _G_SC), jnp.float32),
        scratch_types=[
            pltpu.VMEM((_NUM_CACHE * _P,), jnp.float32),
            pltpu.VMEM((_BVR_LEN, _GPW), jnp.float32),
            pltpu.VMEM((_BVR_LEN, _GPW), jnp.float32),
            pltpu.SemaphoreType.DMA,
        ],
    )
    def k(pts_hbm, x_hbm, o_hbm, pts_v, x_v, o_v, sem):
        wid = lax.axis_index("s") * 2 + lax.axis_index("c")
        base = wid * _GPW
        pltpu.async_copy(pts_hbm, pts_v, sem).wait()
        pltpu.async_copy(x_hbm.at[:, pl.ds(base, _GPW)], x_v, sem).wait()

        def splat_gather(idx_vec):
            return plsc.load_gather(pts_v, [idx_vec])

        def tile_body(t, _):
            off = t * 16

            def c_body(c, carry):
                bm, bi = carry
                pvs = [splat_gather(jnp.broadcast_to(c * _P + j, (16,)))
                       for j in range(_P)]

                def l_body(i, accs):
                    new = []
                    for u in range(4):
                        xl = x_v[u * 16 + i, pl.ds(off, 16)]
                        d = None
                        for j in range(_P):
                            tj = xl - pvs[j]
                            dj = tj * tj
                            d = dj if d is None else jnp.minimum(d, dj)
                        new.append(accs[u] + d)
                    return tuple(new)

                z = jnp.zeros((16,), jnp.float32)
                a0, a1, a2, a3 = lax.fori_loop(0, 16, l_body, (z, z, z, z))
                mse = (a0 + a1) + (a2 + a3)
                upd = mse < bm
                bm = jnp.where(upd, mse, bm)
                bi = jnp.where(upd, jnp.broadcast_to(c, (16,)), bi)
                return bm, bi

            init = (jnp.full((16,), jnp.inf, jnp.float32),
                    jnp.zeros((16,), jnp.int32))
            _, bi = lax.fori_loop(0, _NUM_CACHE, c_body, init)

            psel = [splat_gather(bi * _P + j) for j in range(_P)]

            def q_body(l, _):
                xl = x_v[l, pl.ds(off, 16)]
                q = None
                db = None
                for j in range(_P):
                    tj = xl - psel[j]
                    dj = tj * tj
                    if j == 0:
                        q, db = psel[j], dj
                    else:
                        u2 = dj < db
                        db = jnp.where(u2, dj, db)
                        q = jnp.where(u2, psel[j], q)
                o_v[l, pl.ds(off, 16)] = q
                return 0

            lax.fori_loop(0, _BVR_LEN, q_body, 0)
            return 0

        lax.fori_loop(0, _NT, tile_body, 0)
        pltpu.async_copy(o_v, o_hbm.at[:, pl.ds(base, _GPW)], sem).wait()

    return k(points_flat, xt_sc)


def kernel(data, coeff_cache):
    orig_shape = data.shape
    flat = data.reshape(-1)
    g = flat.shape[0] // _BVR_LEN
    groups = flat.reshape(g, _BVR_LEN)
    xt = groups.T

    bin_t = jnp.asarray(_COMBS.astype(np.float32)).T
    points = coeff_cache @ bin_t

    g_tc = g - _G_SC
    out_tc = pl.pallas_call(
        _sbvr_kernel,
        grid=(g_tc // _LB,),
        in_specs=[
            pl.BlockSpec(memory_space=pltpu.SMEM),
            pl.BlockSpec((_BVR_LEN, _LB), lambda i: (0, i)),
        ],
        out_specs=pl.BlockSpec((_BVR_LEN, _LB), lambda i: (0, i)),
        out_shape=jax.ShapeDtypeStruct((_BVR_LEN, g_tc), jnp.float32),
    )(points, xt[:, :g_tc])

    out_sc = _sc_sbvr(points.reshape(-1), xt[:, g_tc:])

    out_t = jnp.concatenate([out_tc, out_sc], axis=1)
    return out_t.T.reshape(orig_shape)

# --- scband reference (transcript-rebuilt; emitter-appended) ---
"""Pipeline reference for scband-sbvr-69569880260957 (READ-ONLY COPY).

The authoritative reference and input builder live on the scoring server;
editing this copy changes nothing except your own understanding.
"""

import jax, jax.numpy as jnp
import numpy as np
import itertools

NUM_SUMS = 3
BVR_LEN = 64
NUM_CACHE = 128


def _bin_combs():
    combs = np.array(list(itertools.product([0, 1], repeat=NUM_SUMS)), dtype=np.float32)
    return jnp.asarray(combs)  # [2**NUM_SUMS, NUM_SUMS]


def setup_inputs(seed: int = 0) -> dict:
    key = jax.random.key(seed)
    k1, k2 = jax.random.split(key)
    data = jax.random.normal(k1, (1024, 1024), dtype=jnp.float32)
    coeff_cache = jax.random.normal(k2, (NUM_CACHE, NUM_SUMS), dtype=jnp.float32) * 0.5
    return {"data": data, "coeff_cache": coeff_cache}


def reference(data, coeff_cache):
    # SBVR-style quantization: data is split into groups of BVR_LEN scalars.
    # Each coeff_cache line of NUM_SUMS coefficients spans 2**NUM_SUMS
    # reconstruction points (coeff @ bin_combs.T). For each group we pick the
    # cache line minimizing per-element nearest-point MSE, then quantize every
    # element of the group to its nearest point from the selected line.
    orig_shape = data.shape
    flat = data.reshape(-1)
    G = flat.shape[0] // BVR_LEN
    groups = flat.reshape(G, BVR_LEN)
    binT = _bin_combs().T  # [NUM_SUMS, P]
    all_points = coeff_cache @ binT  # [C, P]

    def line_mse(points):  # points: [P]
        d = (groups[:, :, None] - points[None, None, :]) ** 2  # [G, L, P]
        dmin = jnp.min(d, axis=-1)  # [G, L] nearest-point sq err per element
        return jnp.sum(dmin, axis=-1)  # [G]

    mse = jax.lax.map(line_mse, all_points)  # [C, G]
    coeff_idx = jnp.argmin(mse, axis=0)  # [G] best cache line per group
    sel_coeff = jnp.take(coeff_cache, coeff_idx, axis=0)  # [G, NUM_SUMS]
    sel_points = sel_coeff @ binT  # [G, P]
    d = (groups[:, :, None] - sel_points[:, None, :]) ** 2  # [G, L, P]
    nearest = jnp.argmin(d, axis=-1)  # [G, L]
    quantized = jnp.take_along_axis(sel_points, nearest, axis=1)  # [G, L]
    return quantized.reshape(orig_shape)

if __name__ == "__main__":
    import jax
    _d = setup_inputs()
    print(jax.jit(kernel)(*tuple(_d.values())))

</pallas_src>

<mosaic_0001>
#map = affine_map<(d0, d1) -> (0)>
#map1 = affine_map<(d0, d1) -> (0, 0)>
module attributes {stable_mosaic.version = 14 : i64} {
  func.func @k(%arg0: i32, %arg1: i32, %arg2: memref<1024xf32, #tpu.memory_space<hbm>>, %arg3: memref<64x4096xf32, #tpu.memory_space<hbm>>, %arg4: memref<64x4096xf32, #tpu.memory_space<hbm>>, %arg5: memref<1024xf32, #tpu.memory_space<vmem>>, %arg6: memref<64x128xf32, #tpu.memory_space<vmem>>, %arg7: memref<64x128xf32, #tpu.memory_space<vmem>>, %arg8: memref<!tpu.dma_semaphore, #tpu.memory_space<semaphore_mem>>) attributes {dimension_semantics = [#tpu.dimension_semantics<core_parallel>, #tpu.dimension_semantics<subcore_parallel>], iteration_bounds = array<i64: 2, 16>, scalar_prefetch = 0 : i64, scratch_operands = 4 : i64, tpu.core_type = #tpu.core_type<sc_vector_subcore>, window_params = [{transform_indices = #map}, {transform_indices = #map1}, {transform_indices = #map1}]} {
    %mul3A = arith.constant 2 : i32
    %mul3A_0 = arith.muli %arg1, %mul3A : i32
    %add3A = arith.addi %mul3A_0, %arg0 : i32
    %mul3A_1 = arith.constant 128 : i32
    %mul3A_2 = arith.muli %add3A, %mul3A_1 : i32
    tpu.enqueue_dma source(%arg2 : memref<1024xf32, #tpu.memory_space<hbm>>) target(%arg5 : memref<1024xf32, #tpu.memory_space<vmem>>) target_semaphore(%arg8 : memref<!tpu.dma_semaphore, #tpu.memory_space<semaphore_mem>>)
    tpu.wait_dma2 semaphore(%arg8 : memref<!tpu.dma_semaphore, #tpu.memory_space<semaphore_mem>>) src(%arg2 : memref<1024xf32, #tpu.memory_space<hbm>>) dst(%arg5 : memref<1024xf32, #tpu.memory_space<vmem>>)
    %dma_start3A = arith.constant 0 : i32
    %dma_start3A_3 = tpu.memref_slice %arg3[%dma_start3A, %mul3A_2] : memref<64x4096xf32, #tpu.memory_space<hbm>> -> memref<64x128xf32, #tpu.memory_space<hbm>>
    %dma_start3A_4 = arith.constant 0 : i32
    %dma_start3A_5 = tpu.memref_slice %arg3[%dma_start3A_4, %mul3A_2] : memref<64x4096xf32, #tpu.memory_space<hbm>> -> memref<64x128xf32, #tpu.memory_space<hbm>>
    tpu.enqueue_dma source(%dma_start3A_5 : memref<64x128xf32, #tpu.memory_space<hbm>>) target(%arg6 : memref<64x128xf32, #tpu.memory_space<vmem>>) target_semaphore(%arg8 : memref<!tpu.dma_semaphore, #tpu.memory_space<semaphore_mem>>)
    %dma_wait3A = arith.constant 0 : i32
    %dma_wait3A_6 = tpu.memref_slice %arg3[%dma_wait3A, %mul3A_2] : memref<64x4096xf32, #tpu.memory_space<hbm>> -> memref<64x128xf32, #tpu.memory_space<hbm>>
    %dma_wait3A_7 = arith.constant 0 : i32
    %dma_wait3A_8 = tpu.memref_slice %arg3[%dma_wait3A_7, %mul3A_2] : memref<64x4096xf32, #tpu.memory_space<hbm>> -> memref<64x128xf32, #tpu.memory_space<hbm>>
    tpu.wait_dma2 semaphore(%arg8 : memref<!tpu.dma_semaphore, #tpu.memory_space<semaphore_mem>>) src(%dma_wait3A_8 : memref<64x128xf32, #tpu.memory_space<hbm>>) dst(%arg6 : memref<64x128xf32, #tpu.memory_space<vmem>>)
    %scan3A = arith.constant 0 : i32
    %scan3A_9 = arith.constant 0 : i32
    %scan3A_10 = arith.constant 8 : i32
    %scan3A_11 = arith.addi %scan3A_9, %scan3A_10 : i32
    %scan3A_12 = arith.constant 1 : i32
    %scan3A_13 = scf.for %scan3A_23 = %scan3A_9 to %scan3A_11 step %scan3A_12 iter_args(%scan3A_24 = %scan3A) -> (i32)  : i32 {
      %mul3A_25 = arith.constant 16 : i32
      %mul3A_26 = arith.muli %scan3A_23, %mul3A_25 : i32
      %broadcast_in_dim3A = arith.constant 0x7F800000 : f32
      %broadcast_in_dim3A_27 = vector.broadcast %broadcast_in_dim3A : f32 to vector<16xf32>
      %broadcast_in_dim3A_28 = arith.constant 0 : i32
      %broadcast_in_dim3A_29 = vector.broadcast %broadcast_in_dim3A_28 : i32 to vector<16xi32>
      %scan3A_30 = arith.constant 0 : i32
      %scan3A_31 = arith.constant 128 : i32
      %scan3A_32 = arith.addi %scan3A_30, %scan3A_31 : i32
      %scan3A_33 = arith.constant 1 : i32
      %scan3A_34:2 = scf.for %scan3A_99 = %scan3A_30 to %scan3A_32 step %scan3A_33 iter_args(%scan3A_100 = %broadcast_in_dim3A_27, %scan3A_101 = %broadcast_in_dim3A_29) -> (vector<16xf32>, vector<16xi32>)  : i32 {
        %mul3A_102 = arith.constant 8 : i32
        %mul3A_103 = arith.muli %scan3A_99, %mul3A_102 : i32
        %add3A_104 = arith.constant 0 : i32
        %add3A_105 = arith.addi %mul3A_103, %add3A_104 : i32
        %broadcast_in_dim3A_106 = vector.broadcast %add3A_105 : i32 to vector<16xi32>
        %gather3A_107 = tpu.vector_load_idx %arg5[%broadcast_in_dim3A_106] : memref<1024xf32, #tpu.memory_space<vmem>>[vector<16xi32>], vector<16xf32>,
        %mul3A_108 = arith.constant 8 : i32
        %mul3A_109 = arith.muli %scan3A_99, %mul3A_108 : i32
        %add3A_110 = arith.constant 1 : i32
        %add3A_111 = arith.addi %mul3A_109, %add3A_110 : i32
        %broadcast_in_dim3A_112 = vector.broadcast %add3A_111 : i32 to vector<16xi32>
        %gather3A_113 = tpu.vector_load_idx %arg5[%broadcast_in_dim3A_112] : memref<1024xf32, #tpu.memory_space<vmem>>[vector<16xi32>], vector<16xf32>,
        %mul3A_114 = arith.constant 8 : i32
        %mul3A_115 = arith.muli %scan3A_99, %mul3A_114 : i32
        %add3A_116 = arith.constant 2 : i32
        %add3A_117 = arith.addi %mul3A_115, %add3A_116 : i32
        %broadcast_in_dim3A_118 = vector.broadcast %add3A_117 : i32 to vector<16xi32>
        %gather3A_119 = tpu.vector_load_idx %arg5[%broadcast_in_dim3A_118] : memref<1024xf32, #tpu.memory_space<vmem>>[vector<16xi32>], vector<16xf32>,
        %mul3A_120 = arith.constant 8 : i32
        %mul3A_121 = arith.muli %scan3A_99, %mul3A_120 : i32
        %add3A_122 = arith.constant 3 : i32
        %add3A_123 = arith.addi %mul3A_121, %add3A_122 : i32
        %broadcast_in_dim3A_124 = vector.broadcast %add3A_123 : i32 to vector<16xi32>
        %gather3A_125 = tpu.vector_load_idx %arg5[%broadcast_in_dim3A_124] : memref<1024xf32, #tpu.memory_space<vmem>>[vector<16xi32>], vector<16xf32>,
        %mul3A_126 = arith.constant 8 : i32
        %mul3A_127 = arith.muli %scan3A_99, %mul3A_126 : i32
        %add3A_128 = arith.constant 4 : i32
        %add3A_129 = arith.addi %mul3A_127, %add3A_128 : i32
        %broadcast_in_dim3A_130 = vector.broadcast %add3A_129 : i32 to vector<16xi32>
        %gather3A_131 = tpu.vector_load_idx %arg5[%broadcast_in_dim3A_130] : memref<1024xf32, #tpu.memory_space<vmem>>[vector<16xi32>], vector<16xf32>,
        %mul3A_132 = arith.constant 8 : i32
        %mul3A_133 = arith.muli %scan3A_99, %mul3A_132 : i32
        %add3A_134 = arith.constant 5 : i32
        %add3A_135 = arith.addi %mul3A_133, %add3A_134 : i32
        %broadcast_in_dim3A_136 = vector.broadcast %add3A_135 : i32 to vector<16xi32>
        %gather3A_137 = tpu.vector_load_idx %arg5[%broadcast_in_dim3A_136] : memref<1024xf32, #tpu.memory_space<vmem>>[vector<16xi32>], vector<16xf32>,
        %mul3A_138 = arith.constant 8 : i32
        %mul3A_139 = arith.muli %scan3A_99, %mul3A_138 : i32
        %add3A_140 = arith.constant 6 : i32
        %add3A_141 = arith.addi %mul3A_139, %add3A_140 : i32
        %broadcast_in_dim3A_142 = vector.broadcast %add3A_141 : i32 to vector<16xi32>
        %gather3A_143 = tpu.vector_load_idx %arg5[%broadcast_in_dim3A_142] : memref<1024xf32, #tpu.memory_space<vmem>>[vector<16xi32>], vector<16xf32>,
        %mul3A_144 = arith.constant 8 : i32
        %mul3A_145 = arith.muli %scan3A_99, %mul3A_144 : i32
        %add3A_146 = arith.constant 7 : i32
        %add3A_147 = arith.addi %mul3A_145, %add3A_146 : i32
        %broadcast_in_dim3A_148 = vector.broadcast %add3A_147 : i32 to vector<16xi32>
        %gather3A_149 = tpu.vector_load_idx %arg5[%broadcast_in_dim3A_148] : memref<1024xf32, #tpu.memory_space<vmem>>[vector<16xi32>], vector<16xf32>,
        %broadcast_in_dim3A_150 = arith.constant 0.000000e+00 : f32
        %broadcast_in_dim3A_151 = vector.broadcast %broadcast_in_dim3A_150 : f32 to vector<16xf32>
        %scan3A_152 = arith.constant 0 : i32
        %scan3A_153 = arith.constant 16 : i32
        %scan3A_154 = arith.addi %scan3A_152, %scan3A_153 : i32
        %scan3A_155 = arith.constant 1 : i32
        %scan3A_156:4 = scf.for %scan3A_163 = %scan3A_152 to %scan3A_154 step %scan3A_155 iter_args(%scan3A_164 = %broadcast_in_dim3A_151, %scan3A_165 = %broadcast_in_dim3A_151, %scan3A_166 = %broadcast_in_dim3A_151, %scan3A_167 = %broadcast_in_dim3A_151) -> (vector<16xf32>, vector<16xf32>, vector<16xf32>, vector<16xf32>)  : i32 {
          %add3A_168 = arith.constant 0 : i32
          %add3A_169 = arith.addi %add3A_168, %scan3A_163 : i32
          %get3A = arith.index_cast %add3A_169 : i32 to index
          %get3A_170 = arith.index_cast %mul3A_26 : i32 to index
          %get3A_171 = tpu.vector_load %arg6[%get3A, %get3A_170] {strides = array<i32>} : memref<64x128xf32, #tpu.memory_space<vmem>>, vector<16xf32>,
          %sub3A = arith.subf %get3A_171, %gather3A_107 : vector<16xf32>
          %mul3A_172 = arith.mulf %sub3A, %sub3A : vector<16xf32>
          %sub3A_173 = arith.subf %get3A_171, %gather3A_113 : vector<16xf32>
          %mul3A_174 = arith.mulf %sub3A_173, %sub3A_173 : vector<16xf32>
          %min3A = arith.minimumf %mul3A_172, %mul3A_174 : vector<16xf32>
          %sub3A_175 = arith.subf %get3A_171, %gather3A_119 : vector<16xf32>
          %mul3A_176 = arith.mulf %sub3A_175, %sub3A_175 : vector<16xf32>
          %min3A_177 = arith.minimumf %min3A, %mul3A_176 : vector<16xf32>
          %sub3A_178 = arith.subf %get3A_171, %gather3A_125 : vector<16xf32>
          %mul3A_179 = arith.mulf %sub3A_178, %sub3A_178 : vector<16xf32>
          %min3A_180 = arith.minimumf %min3A_177, %mul3A_179 : vector<16xf32>
          %sub3A_181 = arith.subf %get3A_171, %gather3A_131 : vector<16xf32>
          %mul3A_182 = arith.mulf %sub3A_181, %sub3A_181 : vector<16xf32>
          %min3A_183 = arith.minimumf %min3A_180, %mul3A_182 : vector<16xf32>
          %sub3A_184 = arith.subf %get3A_171, %gather3A_137 : vector<16xf32>
          %mul3A_185 = arith.mulf %sub3A_184, %sub3A_184 : vector<16xf32>
          %min3A_186 = arith.minimumf %min3A_183, %mul3A_185 : vector<16xf32>
          %sub3A_187 = arith.subf %get3A_171, %gather3A_143 : vector<16xf32>
          %mul3A_188 = arith.mulf %sub3A_187, %sub3A_187 : vector<16xf32>
          %min3A_189 = arith.minimumf %min3A_186, %mul3A_188 : vector<16xf32>
          %sub3A_190 = arith.subf %get3A_171, %gather3A_149 : vector<16xf32>
          %mul3A_191 = arith.mulf %sub3A_190, %sub3A_190 : vector<16xf32>
          %min3A_192 = arith.minimumf %min3A_189, %mul3A_191 : vector<16xf32>
          %add3A_193 = arith.addf %scan3A_164, %min3A_192 : vector<16xf32>
          %add3A_194 = arith.constant 16 : i32
          %add3A_195 = arith.addi %add3A_194, %scan3A_163 : i32
          %get3A_196 = arith.index_cast %add3A_195 : i32 to index
          %get3A_197 = arith.index_cast %mul3A_26 : i32 to index
          %get3A_198 = tpu.vector_load %arg6[%get3A_196, %get3A_197] {strides = array<i32>} : memref<64x128xf32, #tpu.memory_space<vmem>>, vector<16xf32>,
          %sub3A_199 = arith.subf %get3A_198, %gather3A_107 : vector<16xf32>
          %mul3A_200 = arith.mulf %sub3A_199, %sub3A_199 : vector<16xf32>
          %sub3A_201 = arith.subf %get3A_198, %gather3A_113 : vector<16xf32>
          %mul3A_202 = arith.mulf %sub3A_201, %sub3A_201 : vector<16xf32>
          %min3A_203 = arith.minimumf %mul3A_200, %mul3A_202 : vector<16xf32>
          %sub3A_204 = arith.subf %get3A_198, %gather3A_119 : vector<16xf32>
          %mul3A_205 = arith.mulf %sub3A_204, %sub3A_204 : vector<16xf32>
          %min3A_206 = arith.minimumf %min3A_203, %mul3A_205 : vector<16xf32>
          %sub3A_207 = arith.subf %get3A_198, %gather3A_125 : vector<16xf32>
          %mul3A_208 = arith.mulf %sub3A_207, %sub3A_207 : vector<16xf32>
          %min3A_209 = arith.minimumf %min3A_206, %mul3A_208 : vector<16xf32>
          %sub3A_210 = arith.subf %get3A_198, %gather3A_131 : vector<16xf32>
          %mul3A_211 = arith.mulf %sub3A_210, %sub3A_210 : vector<16xf32>
          %min3A_212 = arith.minimumf %min3A_209, %mul3A_211 : vector<16xf32>
          %sub3A_213 = arith.subf %get3A_198, %gather3A_137 : vector<16xf32>
          %mul3A_214 = arith.mulf %sub3A_213, %sub3A_213 : vector<16xf32>
          %min3A_215 = arith.minimumf %min3A_212, %mul3A_214 : vector<16xf32>
          %sub3A_216 = arith.subf %get3A_198, %gather3A_143 : vector<16xf32>
          %mul3A_217 = arith.mulf %sub3A_216, %sub3A_216 : vector<16xf32>
          %min3A_218 = arith.minimumf %min3A_215, %mul3A_217 : vector<16xf32>
          %sub3A_219 = arith.subf %get3A_198, %gather3A_149 : vector<16xf32>
          %mul3A_220 = arith.mulf %sub3A_219, %sub3A_219 : vector<16xf32>
          %min3A_221 = arith.minimumf %min3A_218, %mul3A_220 : vector<16xf32>
          %add3A_222 = arith.addf %scan3A_165, %min3A_221 : vector<16xf32>
          %add3A_223 = arith.constant 32 : i32
          %add3A_224 = arith.addi %add3A_223, %scan3A_163 : i32
          %get3A_225 = arith.index_cast %add3A_224 : i32 to index
          %get3A_226 = arith.index_cast %mul3A_26 : i32 to index
          %get3A_227 = tpu.vector_load %arg6[%get3A_225, %get3A_226] {strides = array<i32>} : memref<64x128xf32, #tpu.memory_space<vmem>>, vector<16xf32>,
          %sub3A_228 = arith.subf %get3A_227, %gather3A_107 : vector<16xf32>
          %mul3A_229 = arith.mulf %sub3A_228, %sub3A_228 : vector<16xf32>
          %sub3A_230 = arith.subf %get3A_227, %gather3A_113 : vector<16xf32>
          %mul3A_231 = arith.mulf %sub3A_230, %sub3A_230 : vector<16xf32>
          %min3A_232 = arith.minimumf %mul3A_229, %mul3A_231 : vector<16xf32>
          %sub3A_233 = arith.subf %get3A_227, %gather3A_119 : vector<16xf32>
          %mul3A_234 = arith.mulf %sub3A_233, %sub3A_233 : vector<16xf32>
          %min3A_235 = arith.minimumf %min3A_232, %mul3A_234 : vector<16xf32>
          %sub3A_236 = arith.subf %get3A_227, %gather3A_125 : vector<16xf32>
          %mul3A_237 = arith.mulf %sub3A_236, %sub3A_236 : vector<16xf32>
          %min3A_238 = arith.minimumf %min3A_235, %mul3A_237 : vector<16xf32>
          %sub3A_239 = arith.subf %get3A_227, %gather3A_131 : vector<16xf32>
          %mul3A_240 = arith.mulf %sub3A_239, %sub3A_239 : vector<16xf32>
          %min3A_241 = arith.minimumf %min3A_238, %mul3A_240 : vector<16xf32>
          %sub3A_242 = arith.subf %get3A_227, %gather3A_137 : vector<16xf32>
          %mul3A_243 = arith.mulf %sub3A_242, %sub3A_242 : vector<16xf32>
          %min3A_244 = arith.minimumf %min3A_241, %mul3A_243 : vector<16xf32>
          %sub3A_245 = arith.subf %get3A_227, %gather3A_143 : vector<16xf32>
          %mul3A_246 = arith.mulf %sub3A_245, %sub3A_245 : vector<16xf32>
          %min3A_247 = arith.minimumf %min3A_244, %mul3A_246 : vector<16xf32>
          %sub3A_248 = arith.subf %get3A_227, %gather3A_149 : vector<16xf32>
          %mul3A_249 = arith.mulf %sub3A_248, %sub3A_248 : vector<16xf32>
          %min3A_250 = arith.minimumf %min3A_247, %mul3A_249 : vector<16xf32>
          %add3A_251 = arith.addf %scan3A_166, %min3A_250 : vector<16xf32>
          %add3A_252 = arith.constant 48 : i32
          %add3A_253 = arith.addi %add3A_252, %scan3A_163 : i32
          %get3A_254 = arith.index_cast %add3A_253 : i32 to index
          %get3A_255 = arith.index_cast %mul3A_26 : i32 to index
          %get3A_256 = tpu.vector_load %arg6[%get3A_254, %get3A_255] {strides = array<i32>} : memref<64x128xf32, #tpu.memory_space<vmem>>, vector<16xf32>,
          %sub3A_257 = arith.subf %get3A_256, %gather3A_107 : vector<16xf32>
          %mul3A_258 = arith.mulf %sub3A_257, %sub3A_257 : vector<16xf32>
          %sub3A_259 = arith.subf %get3A_256, %gather3A_113 : vector<16xf32>
          %mul3A_260 = arith.mulf %sub3A_259, %sub3A_259 : vector<16xf32>
          %min3A_261 = arith.minimumf %mul3A_258, %mul3A_260 : vector<16xf32>
          %sub3A_262 = arith.subf %get3A_256, %gather3A_119 : vector<16xf32>
          %mul3A_263 = arith.mulf %sub3A_262, %sub3A_262 : vector<16xf32>
          %min3A_264 = arith.minimumf %min3A_261, %mul3A_263 : vector<16xf32>
          %sub3A_265 = arith.subf %get3A_256, %gather3A_125 : vector<16xf32>
          %mul3A_266 = arith.mulf %sub3A_265, %sub3A_265 : vector<16xf32>
          %min3A_267 = arith.minimumf %min3A_264, %mul3A_266 : vector<16xf32>
          %sub3A_268 = arith.subf %get3A_256, %gather3A_131 : vector<16xf32>
          %mul3A_269 = arith.mulf %sub3A_268, %sub3A_268 : vector<16xf32>
          %min3A_270 = arith.minimumf %min3A_267, %mul3A_269 : vector<16xf32>
          %sub3A_271 = arith.subf %get3A_256, %gather3A_137 : vector<16xf32>
          %mul3A_272 = arith.mulf %sub3A_271, %sub3A_271 : vector<16xf32>
          %min3A_273 = arith.minimumf %min3A_270, %mul3A_272 : vector<16xf32>
          %sub3A_274 = arith.subf %get3A_256, %gather3A_143 : vector<16xf32>
          %mul3A_275 = arith.mulf %sub3A_274, %sub3A_274 : vector<16xf32>
          %min3A_276 = arith.minimumf %min3A_273, %mul3A_275 : vector<16xf32>
          %sub3A_277 = arith.subf %get3A_256, %gather3A_149 : vector<16xf32>
          %mul3A_278 = arith.mulf %sub3A_277, %sub3A_277 : vector<16xf32>
          %min3A_279 = arith.minimumf %min3A_276, %mul3A_278 : vector<16xf32>
          %add3A_280 = arith.addf %scan3A_167, %min3A_279 : vector<16xf32>
          scf.yield %add3A_193, %add3A_222, %add3A_251, %add3A_280 : vector<16xf32>, vector<16xf32>, vector<16xf32>, vector<16xf32>
        }
        %scan3A_157 = arith.constant 16 : i32
        %add3A_158 = arith.addf %scan3A_156#0, %scan3A_156#1 : vector<16xf32>
        %add3A_159 = arith.addf %scan3A_156#2, %scan3A_156#3 : vector<16xf32>
        %add3A_160 = arith.addf %add3A_158, %add3A_159 : vector<16xf32>
        %lt3A = arith.cmpf olt, %add3A_160, %scan3A_100 : vector<16xf32>
        %select_n3A = arith.select %lt3A, %add3A_160, %scan3A_100 : vector<16xi1>, vector<16xf32>
        %broadcast_in_dim3A_161 = vector.broadcast %scan3A_99 : i32 to vector<16xi32>
        %select_n3A_162 = arith.select %lt3A, %broadcast_in_dim3A_161, %scan3A_101 : vector<16xi1>, vector<16xi32>
        scf.yield %select_n3A, %select_n3A_162 : vector<16xf32>, vector<16xi32>
      }
      %scan3A_35 = arith.constant 128 : i32
      %mul3A_36 = arith.constant 8 : i32
      %mul3A_37 = vector.broadcast %mul3A_36 : i32 to vector<16xi32>
      %mul3A_38 = arith.muli %scan3A_34#1, %mul3A_37 : vector<16xi32>
      %add3A_39 = arith.constant 0 : i32
      %add3A_40 = vector.broadcast %add3A_39 : i32 to vector<16xi32>
      %add3A_41 = arith.addi %mul3A_38, %add3A_40 : vector<16xi32>
      %gather3A = tpu.vector_load_idx %arg5[%add3A_41] : memref<1024xf32, #tpu.memory_space<vmem>>[vector<16xi32>], vector<16xf32>,
      %mul3A_42 = arith.constant 8 : i32
      %mul3A_43 = vector.broadcast %mul3A_42 : i32 to vector<16xi32>
      %mul3A_44 = arith.muli %scan3A_34#1, %mul3A_43 : vector<16xi32>
      %add3A_45 = arith.constant 1 : i32
      %add3A_46 = vector.broadcast %add3A_45 : i32 to vector<16xi32>
      %add3A_47 = arith.addi %mul3A_44, %add3A_46 : vector<16xi32>
      %gather3A_48 = tpu.vector_load_idx %arg5[%add3A_47] : memref<1024xf32, #tpu.memory_space<vmem>>[vector<16xi32>], vector<16xf32>,
      %mul3A_49 = arith.constant 8 : i32
      %mul3A_50 = vector.broadcast %mul3A_49 : i32 to vector<16xi32>
      %mul3A_51 = arith.muli %scan3A_34#1, %mul3A_50 : vector<16xi32>
      %add3A_52 = arith.constant 2 : i32
      %add3A_53 = vector.broadcast %add3A_52 : i32 to vector<16xi32>
      %add3A_54 = arith.addi %mul3A_51, %add3A_53 : vector<16xi32>
      %gather3A_55 = tpu.vector_load_idx %arg5[%add3A_54] : memref<1024xf32, #tpu.memory_space<vmem>>[vector<16xi32>], vector<16xf32>,
      %mul3A_56 = arith.constant 8 : i32
      %mul3A_57 = vector.broadcast %mul3A_56 : i32 to vector<16xi32>
      %mul3A_58 = arith.muli %scan3A_34#1, %mul3A_57 : vector<16xi32>
      %add3A_59 = arith.constant 3 : i32
      %add3A_60 = vector.broadcast %add3A_59 : i32 to vector<16xi32>
      %add3A_61 = arith.addi %mul3A_58, %add3A_60 : vector<16xi32>
      %gather3A_62 = tpu.vector_load_idx %arg5[%add3A_61] : memref<1024xf32, #tpu.memory_space<vmem>>[vector<16xi32>], vector<16xf32>,
      %mul3A_63 = arith.constant 8 : i32
      %mul3A_64 = vector.broadcast %mul3A_63 : i32 to vector<16xi32>
      %mul3A_65 = arith.muli %scan3A_34#1, %mul3A_64 : vector<16xi32>
      %add3A_66 = arith.constant 4 : i32
      %add3A_67 = vector.broadcast %add3A_66 : i32 to vector<16xi32>
      %add3A_68 = arith.addi %mul3A_65, %add3A_67 : vector<16xi32>
      %gather3A_69 = tpu.vector_load_idx %arg5[%add3A_68] : memref<1024xf32, #tpu.memory_space<vmem>>[vector<16xi32>], vector<16xf32>,
      %mul3A_70 = arith.constant 8 : i32
      %mul3A_71 = vector.broadcast %mul3A_70 : i32 to vector<16xi32>
      %mul3A_72 = arith.muli %scan3A_34#1, %mul3A_71 : vector<16xi32>
      %add3A_73 = arith.constant 5 : i32
      %add3A_74 = vector.broadcast %add3A_73 : i32 to vector<16xi32>
      %add3A_75 = arith.addi %mul3A_72, %add3A_74 : vector<16xi32>
      %gather3A_76 = tpu.vector_load_idx %arg5[%add3A_75] : memref<1024xf32, #tpu.memory_space<vmem>>[vector<16xi32>], vector<16xf32>,
      %mul3A_77 = arith.constant 8 : i32
      %mul3A_78 = vector.broadcast %mul3A_77 : i32 to vector<16xi32>
      %mul3A_79 = arith.muli %scan3A_34#1, %mul3A_78 : vector<16xi32>
      %add3A_80 = arith.constant 6 : i32
      %add3A_81 = vector.broadcast %add3A_80 : i32 to vector<16xi32>
      %add3A_82 = arith.addi %mul3A_79, %add3A_81 : vector<16xi32>
      %gather3A_83 = tpu.vector_load_idx %arg5[%add3A_82] : memref<1024xf32, #tpu.memory_space<vmem>>[vector<16xi32>], vector<16xf32>,
      %mul3A_84 = arith.constant 8 : i32
      %mul3A_85 = vector.broadcast %mul3A_84 : i32 to vector<16xi32>
      %mul3A_86 = arith.muli %scan3A_34#1, %mul3A_85 : vector<16xi32>
      %add3A_87 = arith.constant 7 : i32
      %add3A_88 = vector.broadcast %add3A_87 : i32 to vector<16xi32>
      %add3A_89 = arith.addi %mul3A_86, %add3A_88 : vector<16xi32>
      %gather3A_90 = tpu.vector_load_idx %arg5[%add3A_89] : memref<1024xf32, #tpu.memory_space<vmem>>[vector<16xi32>], vector<16xf32>,
      %scan3A_91 = arith.constant 0 : i32
      %scan3A_92 = arith.constant 0 : i32
      %scan3A_93 = arith.constant 64 : i32
      %scan3A_94 = arith.addi %scan3A_92, %scan3A_93 : i32
      %scan3A_95 = arith.constant 1 : i32
      %scan3A_96 = scf.for %scan3A_99 = %scan3A_92 to %scan3A_94 step %scan3A_95 iter_args(%scan3A_100 = %scan3A_91) -> (i32)  : i32 {
        %get3A = arith.index_cast %scan3A_99 : i32 to index
        %get3A_101 = arith.index_cast %mul3A_26 : i32 to index
        %get3A_102 = tpu.vector_load %arg6[%get3A, %get3A_101] {strides = array<i32>} : memref<64x128xf32, #tpu.memory_space<vmem>>, vector<16xf32>,
        %sub3A = arith.subf %get3A_102, %gather3A : vector<16xf32>
        %mul3A_103 = arith.mulf %sub3A, %sub3A : vector<16xf32>
        %sub3A_104 = arith.subf %get3A_102, %gather3A_48 : vector<16xf32>
        %mul3A_105 = arith.mulf %sub3A_104, %sub3A_104 : vector<16xf32>
        %lt3A = arith.cmpf olt, %mul3A_105, %mul3A_103 : vector<16xf32>
        %select_n3A = arith.select %lt3A, %mul3A_105, %mul3A_103 : vector<16xi1>, vector<16xf32>
        %select_n3A_106 = arith.select %lt3A, %gather3A_48, %gather3A : vector<16xi1>, vector<16xf32>
        %sub3A_107 = arith.subf %get3A_102, %gather3A_55 : vector<16xf32>
        %mul3A_108 = arith.mulf %sub3A_107, %sub3A_107 : vector<16xf32>
        %lt3A_109 = arith.cmpf olt, %mul3A_108, %select_n3A : vector<16xf32>
        %select_n3A_110 = arith.select %lt3A_109, %mul3A_108, %select_n3A : vector<16xi1>, vector<16xf32>
        %select_n3A_111 = arith.select %lt3A_109, %gather3A_55, %select_n3A_106 : vector<16xi1>, vector<16xf32>
        %sub3A_112 = arith.subf %get3A_102, %gather3A_62 : vector<16xf32>
        %mul3A_113 = arith.mulf %sub3A_112, %sub3A_112 : vector<16xf32>
        %lt3A_114 = arith.cmpf olt, %mul3A_113, %select_n3A_110 : vector<16xf32>
        %select_n3A_115 = arith.select %lt3A_114, %mul3A_113, %select_n3A_110 : vector<16xi1>, vector<16xf32>
        %select_n3A_116 = arith.select %lt3A_114, %gather3A_62, %select_n3A_111 : vector<16xi1>, vector<16xf32>
        %sub3A_117 = arith.subf %get3A_102, %gather3A_69 : vector<16xf32>
        %mul3A_118 = arith.mulf %sub3A_117, %sub3A_117 : vector<16xf32>
        %lt3A_119 = arith.cmpf olt, %mul3A_118, %select_n3A_115 : vector<16xf32>
        %select_n3A_120 = arith.select %lt3A_119, %mul3A_118, %select_n3A_115 : vector<16xi1>, vector<16xf32>
        %select_n3A_121 = arith.select %lt3A_119, %gather3A_69, %select_n3A_116 : vector<16xi1>, vector<16xf32>
        %sub3A_122 = arith.subf %get3A_102, %gather3A_76 : vector<16xf32>
        %mul3A_123 = arith.mulf %sub3A_122, %sub3A_122 : vector<16xf32>
        %lt3A_124 = arith.cmpf olt, %mul3A_123, %select_n3A_120 : vector<16xf32>
        %select_n3A_125 = arith.select %lt3A_124, %mul3A_123, %select_n3A_120 : vector<16xi1>, vector<16xf32>
        %select_n3A_126 = arith.select %lt3A_124, %gather3A_76, %select_n3A_121 : vector<16xi1>, vector<16xf32>
        %sub3A_127 = arith.subf %get3A_102, %gather3A_83 : vector<16xf32>
        %mul3A_128 = arith.mulf %sub3A_127, %sub3A_127 : vector<16xf32>
        %lt3A_129 = arith.cmpf olt, %mul3A_128, %select_n3A_125 : vector<16xf32>
        %select_n3A_130 = arith.select %lt3A_129, %mul3A_128, %select_n3A_125 : vector<16xi1>, vector<16xf32>
        %select_n3A_131 = arith.select %lt3A_129, %gather3A_83, %select_n3A_126 : vector<16xi1>, vector<16xf32>
        %sub3A_132 = arith.subf %get3A_102, %gather3A_90 : vector<16xf32>
        %mul3A_133 = arith.mulf %sub3A_132, %sub3A_132 : vector<16xf32>
        %lt3A_134 = arith.cmpf olt, %mul3A_133, %select_n3A_130 : vector<16xf32>
        %select_n3A_135 = arith.select %lt3A_134, %mul3A_133, %select_n3A_130 : vector<16xi1>, vector<16xf32>
        %select_n3A_136 = arith.select %lt3A_134, %gather3A_90, %select_n3A_131 : vector<16xi1>, vector<16xf32>
        %swap3A = arith.index_cast %scan3A_99 : i32 to index
        %swap3A_137 = arith.index_cast %mul3A_26 : i32 to index
        %swap3A_138 = tpu.vector_load %arg7[%swap3A, %swap3A_137] {strides = array<i32>} : memref<64x128xf32, #tpu.memory_space<vmem>>, vector<16xf32>,
        tpu.vector_store %arg7[%swap3A, %swap3A_137], %select_n3A_136 {strides = array<i32>} : memref<64x128xf32, #tpu.memory_space<vmem>>, vector<16xf32>,
        %scan3A_139 = arith.constant 0 : i32
        scf.yield %scan3A_139 : i32
      }
      %scan3A_97 = arith.constant 64 : i32
      %scan3A_98 = arith.constant 0 : i32
      scf.yield %scan3A_98 : i32
    }
    %scan3A_14 = arith.constant 8 : i32
    %dma_start3A_15 = arith.constant 0 : i32
    %dma_start3A_16 = tpu.memref_slice %arg4[%dma_start3A_15, %mul3A_2] : memref<64x4096xf32, #tpu.memory_space<hbm>> -> memref<64x128xf32, #tpu.memory_space<hbm>>
    %dma_start3A_17 = arith.constant 0 : i32
    %dma_start3A_18 = tpu.memref_slice %arg4[%dma_start3A_17, %mul3A_2] : memref<64x4096xf32, #tpu.memory_space<hbm>> -> memref<64x128xf32, #tpu.memory_space<hbm>>
    tpu.enqueue_dma source(%arg7 : memref<64x128xf32, #tpu.memory_space<vmem>>) target(%dma_start3A_18 : memref<64x128xf32, #tpu.memory_space<hbm>>) target_semaphore(%arg8 : memref<!tpu.dma_semaphore, #tpu.memory_space<semaphore_mem>>)
    %dma_wait3A_19 = arith.constant 0 : i32
    %dma_wait3A_20 = tpu.memref_slice %arg4[%dma_wait3A_19, %mul3A_2] : memref<64x4096xf32, #tpu.memory_space<hbm>> -> memref<64x128xf32, #tpu.memory_space<hbm>>
    %dma_wait3A_21 = arith.constant 0 : i32
    %dma_wait3A_22 = tpu.memref_slice %arg4[%dma_wait3A_21, %mul3A_2] : memref<64x4096xf32, #tpu.memory_space<hbm>> -> memref<64x128xf32, #tpu.memory_space<hbm>>
    tpu.wait_dma2 semaphore(%arg8 : memref<!tpu.dma_semaphore, #tpu.memory_space<semaphore_mem>>) src(%arg7 : memref<64x128xf32, #tpu.memory_space<vmem>>) dst(%dma_wait3A_22 : memref<64x128xf32, #tpu.memory_space<hbm>>)
    return
  }
}

module attributes {stable_mosaic.version = 14 : i64} {
  func.func @_sbvr_kernel(%arg0: i32, %arg1: memref<128x8xf32, #tpu.memory_space<smem>>, %arg2: memref<64x256xf32, #tpu.memory_space<vmem>>, %arg3: memref<64x256xf32, #tpu.memory_space<vmem>>) attributes {dimension_semantics = [#tpu.dimension_semantics<arbitrary>], iteration_bounds = array<i64: 48>, scalar_prefetch = 0 : i64, scratch_operands = 0 : i64, tpu.core_type = #tpu.core_type<tc>, window_params = [{transform_indices = @transform_0, window_bounds = array<i64: 128, 8>}, {transform_indices = @transform_1, window_bounds = array<i64: 64, 256>}, {transform_indices = @transform_2, window_bounds = array<i64: 64, 256>}]} {
    %get3A = arith.constant 0 : index
    %get3A_0 = arith.constant 0 : index
    %get3A_1 = vector.load %arg2[%get3A, %get3A_0] : memref<64x256xf32, #tpu.memory_space<vmem>>, vector<64x256xf32>
    %broadcast_in_dim3A = arith.constant 0x7F800000 : f32
    %broadcast_in_dim3A_2 = vector.broadcast %broadcast_in_dim3A : f32 to vector<1x256xf32>
    %broadcast_in_dim3A_3 = arith.constant 0.000000e+00 : f32
    %broadcast_in_dim3A_4 = vector.broadcast %broadcast_in_dim3A_3 : f32 to vector<1x256xf32>
    %scan3A = arith.constant 0 : i32
    %scan3A_5 = arith.constant 128 : i32
    %scan3A_6 = arith.addi %scan3A, %scan3A_5 : i32
    %scan3A_7 = arith.constant 4 : i32
    %scan3A_8:9 = scf.for %scan3A_60 = %scan3A to %scan3A_6 step %scan3A_7 iter_args(%scan3A_61 = %broadcast_in_dim3A_2, %scan3A_62 = %broadcast_in_dim3A_4, %scan3A_63 = %broadcast_in_dim3A_4, %scan3A_64 = %broadcast_in_dim3A_4, %scan3A_65 = %broadcast_in_dim3A_4, %scan3A_66 = %broadcast_in_dim3A_4, %scan3A_67 = %broadcast_in_dim3A_4, %scan3A_68 = %broadcast_in_dim3A_4, %scan3A_69 = %broadcast_in_dim3A_4) -> (vector<1x256xf32>, vector<1x256xf32>, vector<1x256xf32>, vector<1x256xf32>, vector<1x256xf32>, vector<1x256xf32>, vector<1x256xf32>, vector<1x256xf32>, vector<1x256xf32>)  : i32 {
      %get3A_70 = arith.index_cast %scan3A_60 : i32 to index
      %get3A_71 = arith.constant 0 : index
      %get3A_72 = memref.load %arg1[%get3A_70, %get3A_71] : memref<128x8xf32, #tpu.memory_space<smem>>
      %sub3A_73 = vector.broadcast %get3A_72 : f32 to vector<64x256xf32>
      %sub3A_74 = arith.subf %get3A_1, %sub3A_73 : vector<64x256xf32>
      %mul3A_75 = arith.mulf %sub3A_74, %sub3A_74 : vector<64x256xf32>
      %get3A_76 = arith.index_cast %scan3A_60 : i32 to index
      %get3A_77 = arith.constant 1 : index
      %get3A_78 = memref.load %arg1[%get3A_76, %get3A_77] : memref<128x8xf32, #tpu.memory_space<smem>>
      %sub3A_79 = vector.broadcast %get3A_78 : f32 to vector<64x256xf32>
      %sub3A_80 = arith.subf %get3A_1, %sub3A_79 : vector<64x256xf32>
      %mul3A_81 = arith.mulf %sub3A_80, %sub3A_80 : vector<64x256xf32>
      %min3A = arith.minimumf %mul3A_75, %mul3A_81 : vector<64x256xf32>
      %get3A_82 = arith.index_cast %scan3A_60 : i32 to index
      %get3A_83 = arith.constant 2 : index
      %get3A_84 = memref.load %arg1[%get3A_82, %get3A_83] : memref<128x8xf32, #tpu.memory_space<smem>>
      %sub3A_85 = vector.broadcast %get3A_84 : f32 to vector<64x256xf32>
      %sub3A_86 = arith.subf %get3A_1, %sub3A_85 : vector<64x256xf32>
      %mul3A_87 = arith.mulf %sub3A_86, %sub3A_86 : vector<64x256xf32>
      %min3A_88 = arith.minimumf %min3A, %mul3A_87 : vector<64x256xf32>
      %get3A_89 = arith.index_cast %scan3A_60 : i32 to index
      %get3A_90 = arith.constant 3 : index
      %get3A_91 = memref.load %arg1[%get3A_89, %get3A_90] : memref<128x8xf32, #tpu.memory_space<smem>>
      %sub3A_92 = vector.broadcast %get3A_91 : f32 to vector<64x256xf32>
      %sub3A_93 = arith.subf %get3A_1, %sub3A_92 : vector<64x256xf32>
      %mul3A_94 = arith.mulf %sub3A_93, %sub3A_93 : vector<64x256xf32>
      %min3A_95 = arith.minimumf %min3A_88, %mul3A_94 : vector<64x256xf32>
      %get3A_96 = arith.index_cast %scan3A_60 : i32 to index
      %get3A_97 = arith.constant 4 : index
      %get3A_98 = memref.load %arg1[%get3A_96, %get3A_97] : memref<128x8xf32, #tpu.memory_space<smem>>
      %sub3A_99 = vector.broadcast %get3A_98 : f32 to vector<64x256xf32>
      %sub3A_100 = arith.subf %get3A_1, %sub3A_99 : vector<64x256xf32>
      %mul3A_101 = arith.mulf %sub3A_100, %sub3A_100 : vector<64x256xf32>
      %min3A_102 = arith.minimumf %min3A_95, %mul3A_101 : vector<64x256xf32>
      %get3A_103 = arith.index_cast %scan3A_60 : i32 to index
      %get3A_104 = arith.constant 5 : index
      %get3A_105 = memref.load %arg1[%get3A_103, %get3A_104] : memref<128x8xf32, #tpu.memory_space<smem>>
      %sub3A_106 = vector.broadcast %get3A_105 : f32 to vector<64x256xf32>
      %sub3A_107 = arith.subf %get3A_1, %sub3A_106 : vector<64x256xf32>
      %mul3A_108 = arith.mulf %sub3A_107, %sub3A_107 : vector<64x256xf32>
      %min3A_109 = arith.minimumf %min3A_102, %mul3A_108 : vector<64x256xf32>
      %get3A_110 = arith.index_cast %scan3A_60 : i32 to index
      %get3A_111 = arith.constant 6 : index
      %get3A_112 = memref.load %arg1[%get3A_110, %get3A_111] : memref<128x8xf32, #tpu.memory_space<smem>>
      %sub3A_113 = vector.broadcast %get3A_112 : f32 to vector<64x256xf32>
      %sub3A_114 = arith.subf %get3A_1, %sub3A_113 : vector<64x256xf32>
      %mul3A_115 = arith.mulf %sub3A_114, %sub3A_114 : vector<64x256xf32>
      %min3A_116 = arith.minimumf %min3A_109, %mul3A_115 : vector<64x256xf32>
      %get3A_117 = arith.index_cast %scan3A_60 : i32 to index
      %get3A_118 = arith.constant 7 : index
      %get3A_119 = memref.load %arg1[%get3A_117, %get3A_118] : memref<128x8xf32, #tpu.memory_space<smem>>
      %sub3A_120 = vector.broadcast %get3A_119 : f32 to vector<64x256xf32>
      %sub3A_121 = arith.subf %get3A_1, %sub3A_120 : vector<64x256xf32>
      %mul3A_122 = arith.mulf %sub3A_121, %sub3A_121 : vector<64x256xf32>
      %min3A_123 = arith.minimumf %min3A_116, %mul3A_122 : vector<64x256xf32>
      %reduce_sum3A = arith.constant dense<0.000000e+00> : vector<256xf32>
      %reduce_sum3A_124 = vector.multi_reduction <add>, %min3A_123, %reduce_sum3A [0] : vector<64x256xf32> to vector<256xf32>
      %broadcast_in_dim3A_125 = vector.shape_cast %reduce_sum3A_124 : vector<256xf32> to vector<1x256xf32>
      %lt3A_126 = arith.cmpf olt, %broadcast_in_dim3A_125, %scan3A_61 : vector<1x256xf32>
      %select_n3A_127 = arith.select %lt3A_126, %broadcast_in_dim3A_125, %scan3A_61 : vector<1x256xi1>, vector<1x256xf32>
      %get3A_128 = arith.index_cast %scan3A_60 : i32 to index
      %get3A_129 = arith.constant 0 : index
      %get3A_130 = memref.load %arg1[%get3A_128, %get3A_129] : memref<128x8xf32, #tpu.memory_space<smem>>
      %broadcast_in_dim3A_131 = vector.broadcast %get3A_130 : f32 to vector<1x256xf32>
      %select_n3A_132 = arith.select %lt3A_126, %broadcast_in_dim3A_131, %scan3A_62 : vector<1x256xi1>, vector<1x256xf32>
      %get3A_133 = arith.index_cast %scan3A_60 : i32 to index
      %get3A_134 = arith.constant 1 : index
      %get3A_135 = memref.load %arg1[%get3A_133, %get3A_134] : memref<128x8xf32, #tpu.memory_space<smem>>
      %broadcast_in_dim3A_136 = vector.broadcast %get3A_135 : f32 to vector<1x256xf32>
      %select_n3A_137 = arith.select %lt3A_126, %broadcast_in_dim3A_136, %scan3A_63 : vector<1x256xi1>, vector<1x256xf32>
      %get3A_138 = arith.index_cast %scan3A_60 : i32 to index
      %get3A_139 = arith.constant 2 : index
      %get3A_140 = memref.load %arg1[%get3A_138, %get3A_139] : memref<128x8xf32, #tpu.memory_space<smem>>
      %broadcast_in_dim3A_141 = vector.broadcast %get3A_140 : f32 to vector<1x256xf32>
      %select_n3A_142 = arith.select %lt3A_126, %broadcast_in_dim3A_141, %scan3A_64 : vector<1x256xi1>, vector<1x256xf32>
      %get3A_143 = arith.index_cast %scan3A_60 : i32 to index
      %get3A_144 = arith.constant 3 : index
      %get3A_145 = memref.load %arg1[%get3A_143, %get3A_144] : memref<128x8xf32, #tpu.memory_space<smem>>
      %broadcast_in_dim3A_146 = vector.broadcast %get3A_145 : f32 to vector<1x256xf32>
      %select_n3A_147 = arith.select %lt3A_126, %broadcast_in_dim3A_146, %scan3A_65 : vector<1x256xi1>, vector<1x256xf32>
      %get3A_148 = arith.index_cast %scan3A_60 : i32 to index
      %get3A_149 = arith.constant 4 : index
      %get3A_150 = memref.load %arg1[%get3A_148, %get3A_149] : memref<128x8xf32, #tpu.memory_space<smem>>
      %broadcast_in_dim3A_151 = vector.broadcast %get3A_150 : f32 to vector<1x256xf32>
      %select_n3A_152 = arith.select %lt3A_126, %broadcast_in_dim3A_151, %scan3A_66 : vector<1x256xi1>, vector<1x256xf32>
      %get3A_153 = arith.index_cast %scan3A_60 : i32 to index
      %get3A_154 = arith.constant 5 : index
      %get3A_155 = memref.load %arg1[%get3A_153, %get3A_154] : memref<128x8xf32, #tpu.memory_space<smem>>
      %broadcast_in_dim3A_156 = vector.broadcast %get3A_155 : f32 to vector<1x256xf32>
      %select_n3A_157 = arith.select %lt3A_126, %broadcast_in_dim3A_156, %scan3A_67 : vector<1x256xi1>, vector<1x256xf32>
      %get3A_158 = arith.index_cast %scan3A_60 : i32 to index
      %get3A_159 = arith.constant 6 : index
      %get3A_160 = memref.load %arg1[%get3A_158, %get3A_159] : memref<128x8xf32, #tpu.memory_space<smem>>
      %broadcast_in_dim3A_161 = vector.broadcast %get3A_160 : f32 to vector<1x256xf32>
      %select_n3A_162 = arith.select %lt3A_126, %broadcast_in_dim3A_161, %scan3A_68 : vector<1x256xi1>, vector<1x256xf32>
      %get3A_163 = arith.index_cast %scan3A_60 : i32 to index
      %get3A_164 = arith.constant 7 : index
      %get3A_165 = memref.load %arg1[%get3A_163, %get3A_164] : memref<128x8xf32, #tpu.memory_space<smem>>
      %broadcast_in_dim3A_166 = vector.broadcast %get3A_165 : f32 to vector<1x256xf32>
      %select_n3A_167 = arith.select %lt3A_126, %broadcast_in_dim3A_166, %scan3A_69 : vector<1x256xi1>, vector<1x256xf32>
      %scan3A_168 = arith.constant 1 : i32
      %scan3A_169 = arith.addi %scan3A_60, %scan3A_168 : i32
      %get3A_170 = arith.index_cast %scan3A_169 : i32 to index
      %get3A_171 = arith.constant 0 : index
      %get3A_172 = memref.load %arg1[%get3A_170, %get3A_171] : memref<128x8xf32, #tpu.memory_space<smem>>
      %sub3A_173 = vector.broadcast %get3A_172 : f32 to vector<64x256xf32>
      %sub3A_174 = arith.subf %get3A_1, %sub3A_173 : vector<64x256xf32>
      %mul3A_175 = arith.mulf %sub3A_174, %sub3A_174 : vector<64x256xf32>
      %get3A_176 = arith.index_cast %scan3A_169 : i32 to index
      %get3A_177 = arith.constant 1 : index
      %get3A_178 = memref.load %arg1[%get3A_176, %get3A_177] : memref<128x8xf32, #tpu.memory_space<smem>>
      %sub3A_179 = vector.broadcast %get3A_178 : f32 to vector<64x256xf32>
      %sub3A_180 = arith.subf %get3A_1, %sub3A_179 : vector<64x256xf32>
      %mul3A_181 = arith.mulf %sub3A_180, %sub3A_180 : vector<64x256xf32>
      %min3A_182 = arith.minimumf %mul3A_175, %mul3A_181 : vector<64x256xf32>
      %get3A_183 = arith.index_cast %scan3A_169 : i32 to index
      %get3A_184 = arith.constant 2 : index
      %get3A_185 = memref.load %arg1[%get3A_183, %get3A_184] : memref<128x8xf32, #tpu.memory_space<smem>>
      %sub3A_186 = vector.broadcast %get3A_185 : f32 to vector<64x256xf32>
      %sub3A_187 = arith.subf %get3A_1, %sub3A_186 : vector<64x256xf32>
      %mul3A_188 = arith.mulf %sub3A_187, %sub3A_187 : vector<64x256xf32>
      %min3A_189 = arith.minimumf %min3A_182, %mul3A_188 : vector<64x256xf32>
      %get3A_190 = arith.index_cast %scan3A_169 : i32 to index
      %get3A_191 = arith.constant 3 : index
      %get3A_192 = memref.load %arg1[%get3A_190, %get3A_191] : memref<128x8xf32, #tpu.memory_space<smem>>
      %sub3A_193 = vector.broadcast %get3A_192 : f32 to vector<64x256xf32>
      %sub3A_194 = arith.subf %get3A_1, %sub3A_193 : vector<64x256xf32>
      %mul3A_195 = arith.mulf %sub3A_194, %sub3A_194 : vector<64x256xf32>
      %min3A_196 = arith.minimumf %min3A_189, %mul3A_195 : vector<64x256xf32>
      %get3A_197 = arith.index_cast %scan3A_169 : i32 to index
      %get3A_198 = arith.constant 4 : index
      %get3A_199 = memref.load %arg1[%get3A_197, %get3A_198] : memref<128x8xf32, #tpu.memory_space<smem>>
      %sub3A_200 = vector.broadcast %get3A_199 : f32 to vector<64x256xf32>
      %sub3A_201 = arith.subf %get3A_1, %sub3A_200 : vector<64x256xf32>
      %mul3A_202 = arith.mulf %sub3A_201, %sub3A_201 : vector<64x256xf32>
      %min3A_203 = arith.minimumf %min3A_196, %mul3A_202 : vector<64x256xf32>
      %get3A_204 = arith.index_cast %scan3A_169 : i32 to index
      %get3A_205 = arith.constant 5 : index
      %get3A_206 = memref.load %arg1[%get3A_204, %get3A_205] : memref<128x8xf32, #tpu.memory_space<smem>>
      %sub3A_207 = vector.broadcast %get3A_206 : f32 to vector<64x256xf32>
      %sub3A_208 = arith.subf %get3A_1, %sub3A_207 : vector<64x256xf32>
      %mul3A_209 = arith.mulf %sub3A_208, %sub3A_208 : vector<64x256xf32>
      %min3A_210 = arith.minimumf %min3A_203, %mul3A_209 : vector<64x256xf32>
      %get3A_211 = arith.index_cast %scan3A_169 : i32 to index
      %get3A_212 = arith.constant 6 : index
      %get3A_213 = memref.load %arg1[%get3A_211, %get3A_212] : memref<128x8xf32, #tpu.memory_space<smem>>
      %sub3A_214 = vector.broadcast %get3A_213 : f32 to vector<64x256xf32>
      %sub3A_215 = arith.subf %get3A_1, %sub3A_214 : vector<64x256xf32>
      %mul3A_216 = arith.mulf %sub3A_215, %sub3A_215 : vector<64x256xf32>
      %min3A_217 = arith.minimumf %min3A_210, %mul3A_216 : vector<64x256xf32>
      %get3A_218 = arith.index_cast %scan3A_169 : i32 to index
      %get3A_219 = arith.constant 7 : index
      %get3A_220 = memref.load %arg1[%get3A_218, %get3A_219] : memref<128x8xf32, #tpu.memory_space<smem>>
      %sub3A_221 = vector.broadcast %get3A_220 : f32 to vector<64x256xf32>
      %sub3A_222 = arith.subf %get3A_1, %sub3A_221 : vector<64x256xf32>
      %mul3A_223 = arith.mulf %sub3A_222, %sub3A_222 : vector<64x256xf32>
      %min3A_224 = arith.minimumf %min3A_217, %mul3A_223 : vector<64x256xf32>
      %reduce_sum3A_225 = arith.constant dense<0.000000e+00> : vector<256xf32>
      %reduce_sum3A_226 = vector.multi_reduction <add>, %min3A_224, %reduce_sum3A_225 [0] : vector<64x256xf32> to vector<256xf32>
      %broadcast_in_dim3A_227 = vector.shape_cast %reduce_sum3A_226 : vector<256xf32> to vector<1x256xf32>
      %lt3A_228 = arith.cmpf olt, %broadcast_in_dim3A_227, %select_n3A_127 : vector<1x256xf32>
      %select_n3A_229 = arith.select %lt3A_228, %broadcast_in_dim3A_227, %select_n3A_127 : vector<1x256xi1>, vector<1x256xf32>
      %get3A_230 = arith.index_cast %scan3A_169 : i32 to index
      %get3A_231 = arith.constant 0 : index
      %get3A_232 = memref.load %arg1[%get3A_230, %get3A_231] : memref<128x8xf32, #tpu.memory_space<smem>>
      %broadcast_in_dim3A_233 = vector.broadcast %get3A_232 : f32 to vector<1x256xf32>
      %select_n3A_234 = arith.select %lt3A_228, %broadcast_in_dim3A_233, %select_n3A_132 : vector<1x256xi1>, vector<1x256xf32>
      %get3A_235 = arith.index_cast %scan3A_169 : i32 to index
      %get3A_236 = arith.constant 1 : index
      %get3A_237 = memref.load %arg1[%get3A_235, %get3A_236] : memref<128x8xf32, #tpu.memory_space<smem>>
      %broadcast_in_dim3A_238 = vector.broadcast %get3A_237 : f32 to vector<1x256xf32>
      %select_n3A_239 = arith.select %lt3A_228, %broadcast_in_dim3A_238, %select_n3A_137 : vector<1x256xi1>, vector<1x256xf32>
      %get3A_240 = arith.index_cast %scan3A_169 : i32 to index
      %get3A_241 = arith.constant 2 : index
      %get3A_242 = memref.load %arg1[%get3A_240, %get3A_241] : memref<128x8xf32, #tpu.memory_space<smem>>
      %broadcast_in_dim3A_243 = vector.broadcast %get3A_242 : f32 to vector<1x256xf32>
      %select_n3A_244 = arith.select %lt3A_228, %broadcast_in_dim3A_243, %select_n3A_142 : vector<1x256xi1>, vector<1x256xf32>
      %get3A_245 = arith.index_cast %scan3A_169 : i32 to index
      %get3A_246 = arith.constant 3 : index
      %get3A_247 = memref.load %arg1[%get3A_245, %get3A_246] : memref<128x8xf32, #tpu.memory_space<smem>>
      %broadcast_in_dim3A_248 = vector.broadcast %get3A_247 : f32 to vector<1x256xf32>
      %select_n3A_249 = arith.select %lt3A_228, %broadcast_in_dim3A_248, %select_n3A_147 : vector<1x256xi1>, vector<1x256xf32>
      %get3A_250 = arith.index_cast %scan3A_169 : i32 to index
      %get3A_251 = arith.constant 4 : index
      %get3A_252 = memref.load %arg1[%get3A_250, %get3A_251] : memref<128x8xf32, #tpu.memory_space<smem>>
      %broadcast_in_dim3A_253 = vector.broadcast %get3A_252 : f32 to vector<1x256xf32>
      %select_n3A_254 = arith.select %lt3A_228, %broadcast_in_dim3A_253, %select_n3A_152 : vector<1x256xi1>, vector<1x256xf32>
      %get3A_255 = arith.index_cast %scan3A_169 : i32 to index
      %get3A_256 = arith.constant 5 : index
      %get3A_257 = memref.load %arg1[%get3A_255, %get3A_256] : memref<128x8xf32, #tpu.memory_space<smem>>
      %broadcast_in_dim3A_258 = vector.broadcast %get3A_257 : f32 to vector<1x256xf32>
      %select_n3A_259 = arith.select %lt3A_228, %broadcast_in_dim3A_258, %select_n3A_157 : vector<1x256xi1>, vector<1x256xf32>
      %get3A_260 = arith.index_cast %scan3A_169 : i32 to index
      %get3A_261 = arith.constant 6 : index
      %get3A_262 = memref.load %arg1[%get3A_260, %get3A_261] : memref<128x8xf32, #tpu.memory_space<smem>>
      %broadcast_in_dim3A_263 = vector.broadcast %get3A_262 : f32 to vector<1x256xf32>
      %select_n3A_264 = arith.select %lt3A_228, %broadcast_in_dim3A_263, %select_n3A_162 : vector<1x256xi1>, vector<1x256xf32>
      %get3A_265 = arith.index_cast %scan3A_169 : i32 to index
      %get3A_266 = arith.constant 7 : index
      %get3A_267 = memref.load %arg1[%get3A_265, %get3A_266] : memref<128x8xf32, #tpu.memory_space<smem>>
      %broadcast_in_dim3A_268 = vector.broadcast %get3A_267 : f32 to vector<1x256xf32>
      %select_n3A_269 = arith.select %lt3A_228, %broadcast_in_dim3A_268, %select_n3A_167 : vector<1x256xi1>, vector<1x256xf32>
      %scan3A_270 = arith.constant 2 : i32
      %scan3A_271 = arith.addi %scan3A_60, %scan3A_270 : i32
      %get3A_272 = arith.index_cast %scan3A_271 : i32 to index
      %get3A_273 = arith.constant 0 : index
      %get3A_274 = memref.load %arg1[%get3A_272, %get3A_273] : memref<128x8xf32, #tpu.memory_space<smem>>
      %sub3A_275 = vector.broadcast %get3A_274 : f32 to vector<64x256xf32>
      %sub3A_276 = arith.subf %get3A_1, %sub3A_275 : vector<64x256xf32>
      %mul3A_277 = arith.mulf %sub3A_276, %sub3A_276 : vector<64x256xf32>
      %get3A_278 = arith.index_cast %scan3A_271 : i32 to index
      %get3A_279 = arith.constant 1 : index
      %get3A_280 = memref.load %arg1[%get3A_278, %get3A_279] : memref<128x8xf32, #tpu.memory_space<smem>>
      %sub3A_281 = vector.broadcast %get3A_280 : f32 to vector<64x256xf32>
      %sub3A_282 = arith.subf %get3A_1, %sub3A_281 : vector<64x256xf32>
      %mul3A_283 = arith.mulf %sub3A_282, %sub3A_282 : vector<64x256xf32>
      %min3A_284 = arith.minimumf %mul3A_277, %mul3A_283 : vector<64x256xf32>
      %get3A_285 = arith.index_cast %scan3A_271 : i32 to index
      %get3A_286 = arith.constant 2 : index
      %get3A_287 = memref.load %arg1[%get3A_285, %get3A_286] : memref<128x8xf32, #tpu.memory_space<smem>>
      %sub3A_288 = vector.broadcast %get3A_287 : f32 to vector<64x256xf32>
      %sub3A_289 = arith.subf %get3A_1, %sub3A_288 : vector<64x256xf32>
      %mul3A_290 = arith.mulf %sub3A_289, %sub3A_289 : vector<64x256xf32>
      %min3A_291 = arith.minimumf %min3A_284, %mul3A_290 : vector<64x256xf32>
      %get3A_292 = arith.index_cast %scan3A_271 : i32 to index
      %get3A_293 = arith.constant 3 : index
      %get3A_294 = memref.load %arg1[%get3A_292, %get3A_293] : memref<128x8xf32, #tpu.memory_space<smem>>
      %sub3A_295 = vector.broadcast %get3A_294 : f32 to vector<64x256xf32>
      %sub3A_296 = arith.subf %get3A_1, %sub3A_295 : vector<64x256xf32>
      %mul3A_297 = arith.mulf %sub3A_296, %sub3A_296 : vector<64x256xf32>
      %min3A_298 = arith.minimumf %min3A_291, %mul3A_297 : vector<64x256xf32>
      %get3A_299 = arith.index_cast %scan3A_271 : i32 to index
      %get3A_300 = arith.constant 4 : index
      %get3A_301 = memref.load %arg1[%get3A_299, %get3A_300] : memref<128x8xf32, #tpu.memory_space<smem>>
      %sub3A_302 = vector.broadcast %get3A_301 : f32 to vector<64x256xf32>
      %sub3A_303 = arith.subf %get3A_1, %sub3A_302 : vector<64x256xf32>
      %mul3A_304 = arith.mulf %sub3A_303, %sub3A_303 : vector<64x256xf32>
      %min3A_305 = arith.minimumf %min3A_298, %mul3A_304 : vector<64x256xf32>
      %get3A_306 = arith.index_cast %scan3A_271 : i32 to index
      %get3A_307 = arith.constant 5 : index
      %get3A_308 = memref.load %arg1[%get3A_306, %get3A_307] : memref<128x8xf32, #tpu.memory_space<smem>>
      %sub3A_309 = vector.broadcast %get3A_308 : f32 to vector<64x256xf32>
      %sub3A_310 = arith.subf %get3A_1, %sub3A_309 : vector<64x256xf32>
      %mul3A_311 = arith.mulf %sub3A_310, %sub3A_310 : vector<64x256xf32>
      %min3A_312 = arith.minimumf %min3A_305, %mul3A_311 : vector<64x256xf32>
      %get3A_313 = arith.index_cast %scan3A_271 : i32 to index
      %get3A_314 = arith.constant 6 : index
      %get3A_315 = memref.load %arg1[%get3A_313, %get3A_314] : memref<128x8xf32, #tpu.memory_space<smem>>
      %sub3A_316 = vector.broadcast %get3A_315 : f32 to vector<64x256xf32>
      %sub3A_317 = arith.subf %get3A_1, %sub3A_316 : vector<64x256xf32>
      %mul3A_318 = arith.mulf %sub3A_317, %sub3A_317 : vector<64x256xf32>
      %min3A_319 = arith.minimumf %min3A_312, %mul3A_318 : vector<64x256xf32>
      %get3A_320 = arith.index_cast %scan3A_271 : i32 to index
      %get3A_321 = arith.constant 7 : index
      %get3A_322 = memref.load %arg1[%get3A_320, %get3A_321] : memref<128x8xf32, #tpu.memory_space<smem>>
      %sub3A_323 = vector.broadcast %get3A_322 : f32 to vector<64x256xf32>
      %sub3A_324 = arith.subf %get3A_1, %sub3A_323 : vector<64x256xf32>
      %mul3A_325 = arith.mulf %sub3A_324, %sub3A_324 : vector<64x256xf32>
      %min3A_326 = arith.minimumf %min3A_319, %mul3A_325 : vector<64x256xf32>
      %reduce_sum3A_327 = arith.constant dense<0.000000e+00> : vector<256xf32>
      %reduce_sum3A_328 = vector.multi_reduction <add>, %min3A_326, %reduce_sum3A_327 [0] : vector<64x256xf32> to vector<256xf32>
      %broadcast_in_dim3A_329 = vector.shape_cast %reduce_sum3A_328 : vector<256xf32> to vector<1x256xf32>
      %lt3A_330 = arith.cmpf olt, %broadcast_in_dim3A_329, %select_n3A_229 : vector<1x256xf32>
      %select_n3A_331 = arith.select %lt3A_330, %broadcast_in_dim3A_329, %select_n3A_229 : vector<1x256xi1>, vector<1x256xf32>
      %get3A_332 = arith.index_cast %scan3A_271 : i32 to index
      %get3A_333 = arith.constant 0 : index
      %get3A_334 = memref.load %arg1[%get3A_332, %get3A_333] : memref<128x8xf32, #tpu.memory_space<smem>>
      %broadcast_in_dim3A_335 = vector.broadcast %get3A_334 : f32 to vector<1x256xf32>
      %select_n3A_336 = arith.select %lt3A_330, %broadcast_in_dim3A_335, %select_n3A_234 : vector<1x256xi1>, vector<1x256xf32>
      %get3A_337 = arith.index_cast %scan3A_271 : i32 to index
      %get3A_338 = arith.constant 1 : index
      %get3A_339 = memref.load %arg1[%get3A_337, %get3A_338] : memref<128x8xf32, #tpu.memory_space<smem>>
      %broadcast_in_dim3A_340 = vector.broadcast %get3A_339 : f32 to vector<1x256xf32>
      %select_n3A_341 = arith.select %lt3A_330, %broadcast_in_dim3A_340, %select_n3A_239 : vector<1x256xi1>, vector<1x256xf32>
      %get3A_342 = arith.index_cast %scan3A_271 : i32 to index
      %get3A_343 = arith.constant 2 : index
      %get3A_344 = memref.load %arg1[%get3A_342, %get3A_343] : memref<128x8xf32, #tpu.memory_space<smem>>
      %broadcast_in_dim3A_345 = vector.broadcast %get3A_344 : f32 to vector<1x256xf32>
      %select_n3A_346 = arith.select %lt3A_330, %broadcast_in_dim3A_345, %select_n3A_244 : vector<1x256xi1>, vector<1x256xf32>
      %get3A_347 = arith.index_cast %scan3A_271 : i32 to index
      %get3A_348 = arith.constant 3 : index
      %get3A_349 = memref.load %arg1[%get3A_347, %get3A_348] : memref<128x8xf32, #tpu.memory_space<smem>>
      %broadcast_in_dim3A_350 = vector.broadcast %get3A_349 : f32 to vector<1x256xf32>
      %select_n3A_351 = arith.select %lt3A_330, %broadcast_in_dim3A_350, %select_n3A_249 : vector<1x256xi1>, vector<1x256xf32>
      %get3A_352 = arith.index_cast %scan3A_271 : i32 to index
      %get3A_353 = arith.constant 4 : index
      %get3A_354 = memref.load %arg1[%get3A_352, %get3A_353] : memref<128x8xf32, #tpu.memory_space<smem>>
      %broadcast_in_dim3A_355 = vector.broadcast %get3A_354 : f32 to vector<1x256xf32>
      %select_n3A_356 = arith.select %lt3A_330, %broadcast_in_dim3A_355, %select_n3A_254 : vector<1x256xi1>, vector<1x256xf32>
      %get3A_357 = arith.index_cast %scan3A_271 : i32 to index
      %get3A_358 = arith.constant 5 : index
      %get3A_359 = memref.load %arg1[%get3A_357, %get3A_358] : memref<128x8xf32, #tpu.memory_space<smem>>
      %broadcast_in_dim3A_360 = vector.broadcast %get3A_359 : f32 to vector<1x256xf32>
      %select_n3A_361 = arith.select %lt3A_330, %broadcast_in_dim3A_360, %select_n3A_259 : vector<1x256xi1>, vector<1x256xf32>
      %get3A_362 = arith.index_cast %scan3A_271 : i32 to index
      %get3A_363 = arith.constant 6 : index
      %get3A_364 = memref.load %arg1[%get3A_362, %get3A_363] : memref<128x8xf32, #tpu.memory_space<smem>>
      %broadcast_in_dim3A_365 = vector.broadcast %get3A_364 : f32 to vector<1x256xf32>
      %select_n3A_366 = arith.select %lt3A_330, %broadcast_in_dim3A_365, %select_n3A_264 : vector<1x256xi1>, vector<1x256xf32>
      %get3A_367 = arith.index_cast %scan3A_271 : i32 to index
      %get3A_368 = arith.constant 7 : index
      %get3A_369 = memref.load %arg1[%get3A_367, %get3A_368] : memref<128x8xf32, #tpu.memory_space<smem>>
      %broadcast_in_dim3A_370 = vector.broadcast %get3A_369 : f32 to vector<1x256xf32>
      %select_n3A_371 = arith.select %lt3A_330, %broadcast_in_dim3A_370, %select_n3A_269 : vector<1x256xi1>, vector<1x256xf32>
      %scan3A_372 = arith.constant 3 : i32
      %scan3A_373 = arith.addi %scan3A_60, %scan3A_372 : i32
      %get3A_374 = arith.index_cast %scan3A_373 : i32 to index
      %get3A_375 = arith.constant 0 : index
      %get3A_376 = memref.load %arg1[%get3A_374, %get3A_375] : memref<128x8xf32, #tpu.memory_space<smem>>
      %sub3A_377 = vector.broadcast %get3A_376 : f32 to vector<64x256xf32>
      %sub3A_378 = arith.subf %get3A_1, %sub3A_377 : vector<64x256xf32>
      %mul3A_379 = arith.mulf %sub3A_378, %sub3A_378 : vector<64x256xf32>
      %get3A_380 = arith.index_cast %scan3A_373 : i32 to index
      %get3A_381 = arith.constant 1 : index
      %get3A_382 = memref.load %arg1[%get3A_380, %get3A_381] : memref<128x8xf32, #tpu.memory_space<smem>>
      %sub3A_383 = vector.broadcast %get3A_382 : f32 to vector<64x256xf32>
      %sub3A_384 = arith.subf %get3A_1, %sub3A_383 : vector<64x256xf32>
      %mul3A_385 = arith.mulf %sub3A_384, %sub3A_384 : vector<64x256xf32>
      %min3A_386 = arith.minimumf %mul3A_379, %mul3A_385 : vector<64x256xf32>
      %get3A_387 = arith.index_cast %scan3A_373 : i32 to index
      %get3A_388 = arith.constant 2 : index
      %get3A_389 = memref.load %arg1[%get3A_387, %get3A_388] : memref<128x8xf32, #tpu.memory_space<smem>>
      %sub3A_390 = vector.broadcast %get3A_389 : f32 to vector<64x256xf32>
      %sub3A_391 = arith.subf %get3A_1, %sub3A_390 : vector<64x256xf32>
      %mul3A_392 = arith.mulf %sub3A_391, %sub3A_391 : vector<64x256xf32>
      %min3A_393 = arith.minimumf %min3A_386, %mul3A_392 : vector<64x256xf32>
      %get3A_394 = arith.index_cast %scan3A_373 : i32 to index
      %get3A_395 = arith.constant 3 : index
      %get3A_396 = memref.load %arg1[%get3A_394, %get3A_395] : memref<128x8xf32, #tpu.memory_space<smem>>
      %sub3A_397 = vector.broadcast %get3A_396 : f32 to vector<64x256xf32>
      %sub3A_398 = arith.subf %get3A_1, %sub3A_397 : vector<64x256xf32>
      %mul3A_399 = arith.mulf %sub3A_398, %sub3A_398 : vector<64x256xf32>
      %min3A_400 = arith.minimumf %min3A_393, %mul3A_399 : vector<64x256xf32>
      %get3A_401 = arith.index_cast %scan3A_373 : i32 to index
      %get3A_402 = arith.constant 4 : index
      %get3A_403 = memref.load %arg1[%get3A_401, %get3A_402] : memref<128x8xf32, #tpu.memory_space<smem>>
      %sub3A_404 = vector.broadcast %get3A_403 : f32 to vector<64x256xf32>
      %sub3A_405 = arith.subf %get3A_1, %sub3A_404 : vector<64x256xf32>
      %mul3A_406 = arith.mulf %sub3A_405, %sub3A_405 : vector<64x256xf32>
      %min3A_407 = arith.minimumf %min3A_400, %mul3A_406 : vector<64x256xf32>
      %get3A_408 = arith.index_cast %scan3A_373 : i32 to index
      %get3A_409 = arith.constant 5 : index
      %get3A_410 = memref.load %arg1[%get3A_408, %get3A_409] : memref<128x8xf32, #tpu.memory_space<smem>>
      %sub3A_411 = vector.broadcast %get3A_410 : f32 to vector<64x256xf32>
      %sub3A_412 = arith.subf %get3A_1, %sub3A_411 : vector<64x256xf32>
      %mul3A_413 = arith.mulf %sub3A_412, %sub3A_412 : vector<64x256xf32>
      %min3A_414 = arith.minimumf %min3A_407, %mul3A_413 : vector<64x256xf32>
      %get3A_415 = arith.index_cast %scan3A_373 : i32 to index
      %get3A_416 = arith.constant 6 : index
      %get3A_417 = memref.load %arg1[%get3A_415, %get3A_416] : memref<128x8xf32, #tpu.memory_space<smem>>
      %sub3A_418 = vector.broadcast %get3A_417 : f32 to vector<64x256xf32>
      %sub3A_419 = arith.subf %get3A_1, %sub3A_418 : vector<64x256xf32>
      %mul3A_420 = arith.mulf %sub3A_419, %sub3A_419 : vector<64x256xf32>
      %min3A_421 = arith.minimumf %min3A_414, %mul3A_420 : vector<64x256xf32>
      %get3A_422 = arith.index_cast %scan3A_373 : i32 to index
      %get3A_423 = arith.constant 7 : index
      %get3A_424 = memref.load %arg1[%get3A_422, %get3A_423] : memref<128x8xf32, #tpu.memory_space<smem>>
      %sub3A_425 = vector.broadcast %get3A_424 : f32 to vector<64x256xf32>
      %sub3A_426 = arith.subf %get3A_1, %sub3A_425 : vector<64x256xf32>
      %mul3A_427 = arith.mulf %sub3A_426, %sub3A_426 : vector<64x256xf32>
      %min3A_428 = arith.minimumf %min3A_421, %mul3A_427 : vector<64x256xf32>
      %reduce_sum3A_429 = arith.constant dense<0.000000e+00> : vector<256xf32>
      %reduce_sum3A_430 = vector.multi_reduction <add>, %min3A_428, %reduce_sum3A_429 [0] : vector<64x256xf32> to vector<256xf32>
      %broadcast_in_dim3A_431 = vector.shape_cast %reduce_sum3A_430 : vector<256xf32> to vector<1x256xf32>
      %lt3A_432 = arith.cmpf olt, %broadcast_in_dim3A_431, %select_n3A_331 : vector<1x256xf32>
      %select_n3A_433 = arith.select %lt3A_432, %broadcast_in_dim3A_431, %select_n3A_331 : vector<1x256xi1>, vector<1x256xf32>
      %get3A_434 = arith.index_cast %scan3A_373 : i32 to index
      %get3A_435 = arith.constant 0 : index
      %get3A_436 = memref.load %arg1[%get3A_434, %get3A_435] : memref<128x8xf32, #tpu.memory_space<smem>>
      %broadcast_in_dim3A_437 = vector.broadcast %get3A_436 : f32 to vector<1x256xf32>
      %select_n3A_438 = arith.select %lt3A_432, %broadcast_in_dim3A_437, %select_n3A_336 : vector<1x256xi1>, vector<1x256xf32>
      %get3A_439 = arith.index_cast %scan3A_373 : i32 to index
      %get3A_440 = arith.constant 1 : index
      %get3A_441 = memref.load %arg1[%get3A_439, %get3A_440] : memref<128x8xf32, #tpu.memory_space<smem>>
      %broadcast_in_dim3A_442 = vector.broadcast %get3A_441 : f32 to vector<1x256xf32>
      %select_n3A_443 = arith.select %lt3A_432, %broadcast_in_dim3A_442, %select_n3A_341 : vector<1x256xi1>, vector<1x256xf32>
      %get3A_444 = arith.index_cast %scan3A_373 : i32 to index
      %get3A_445 = arith.constant 2 : index
      %get3A_446 = memref.load %arg1[%get3A_444, %get3A_445] : memref<128x8xf32, #tpu.memory_space<smem>>
      %broadcast_in_dim3A_447 = vector.broadcast %get3A_446 : f32 to vector<1x256xf32>
      %select_n3A_448 = arith.select %lt3A_432, %broadcast_in_dim3A_447, %select_n3A_346 : vector<1x256xi1>, vector<1x256xf32>
      %get3A_449 = arith.index_cast %scan3A_373 : i32 to index
      %get3A_450 = arith.constant 3 : index
      %get3A_451 = memref.load %arg1[%get3A_449, %get3A_450] : memref<128x8xf32, #tpu.memory_space<smem>>
      %broadcast_in_dim3A_452 = vector.broadcast %get3A_451 : f32 to vector<1x256xf32>
      %select_n3A_453 = arith.select %lt3A_432, %broadcast_in_dim3A_452, %select_n3A_351 : vector<1x256xi1>, vector<1x256xf32>
      %get3A_454 = arith.index_cast %scan3A_373 : i32 to index
      %get3A_455 = arith.constant 4 : index
      %get3A_456 = memref.load %arg1[%get3A_454, %get3A_455] : memref<128x8xf32, #tpu.memory_space<smem>>
      %broadcast_in_dim3A_457 = vector.broadcast %get3A_456 : f32 to vector<1x256xf32>
      %select_n3A_458 = arith.select %lt3A_432, %broadcast_in_dim3A_457, %select_n3A_356 : vector<1x256xi1>, vector<1x256xf32>
      %get3A_459 = arith.index_cast %scan3A_373 : i32 to index
      %get3A_460 = arith.constant 5 : index
      %get3A_461 = memref.load %arg1[%get3A_459, %get3A_460] : memref<128x8xf32, #tpu.memory_space<smem>>
      %broadcast_in_dim3A_462 = vector.broadcast %get3A_461 : f32 to vector<1x256xf32>
      %select_n3A_463 = arith.select %lt3A_432, %broadcast_in_dim3A_462, %select_n3A_361 : vector<1x256xi1>, vector<1x256xf32>
      %get3A_464 = arith.index_cast %scan3A_373 : i32 to index
      %get3A_465 = arith.constant 6 : index
      %get3A_466 = memref.load %arg1[%get3A_464, %get3A_465] : memref<128x8xf32, #tpu.memory_space<smem>>
      %broadcast_in_dim3A_467 = vector.broadcast %get3A_466 : f32 to vector<1x256xf32>
      %select_n3A_468 = arith.select %lt3A_432, %broadcast_in_dim3A_467, %select_n3A_366 : vector<1x256xi1>, vector<1x256xf32>
      %get3A_469 = arith.index_cast %scan3A_373 : i32 to index
      %get3A_470 = arith.constant 7 : index
      %get3A_471 = memref.load %arg1[%get3A_469, %get3A_470] : memref<128x8xf32, #tpu.memory_space<smem>>
      %broadcast_in_dim3A_472 = vector.broadcast %get3A_471 : f32 to vector<1x256xf32>
      %select_n3A_473 = arith.select %lt3A_432, %broadcast_in_dim3A_472, %select_n3A_371 : vector<1x256xi1>, vector<1x256xf32>
      scf.yield %select_n3A_433, %select_n3A_438, %select_n3A_443, %select_n3A_448, %select_n3A_453, %select_n3A_458, %select_n3A_463, %select_n3A_468, %select_n3A_473 : vector<1x256xf32>, vector<1x256xf32>, vector<1x256xf32>, vector<1x256xf32>, vector<1x256xf32>, vector<1x256xf32>, vector<1x256xf32>, vector<1x256xf32>, vector<1x256xf32>
    }
    %scan3A_9 = arith.constant 128 : i32
    %broadcast_in_dim3A_10 = vector.shape_cast %scan3A_8#1 : vector<1x256xf32> to vector<1x256xf32>
    %broadcast_in_dim3A_11 = vector.broadcast %broadcast_in_dim3A_10 : vector<1x256xf32> to vector<64x256xf32>
    %sub3A = arith.subf %get3A_1, %broadcast_in_dim3A_11 : vector<64x256xf32>
    %mul3A = arith.mulf %sub3A, %sub3A : vector<64x256xf32>
    %broadcast_in_dim3A_12 = vector.shape_cast %scan3A_8#2 : vector<1x256xf32> to vector<1x256xf32>
    %broadcast_in_dim3A_13 = vector.broadcast %broadcast_in_dim3A_12 : vector<1x256xf32> to vector<64x256xf32>
    %sub3A_14 = arith.subf %get3A_1, %broadcast_in_dim3A_13 : vector<64x256xf32>
    %mul3A_15 = arith.mulf %sub3A_14, %sub3A_14 : vector<64x256xf32>
    %lt3A = arith.cmpf olt, %mul3A_15, %mul3A : vector<64x256xf32>
    %select_n3A = arith.select %lt3A, %mul3A_15, %mul3A : vector<64x256xi1>, vector<64x256xf32>
    %select_n3A_16 = arith.select %lt3A, %broadcast_in_dim3A_13, %broadcast_in_dim3A_11 : vector<64x256xi1>, vector<64x256xf32>
    %broadcast_in_dim3A_17 = vector.shape_cast %scan3A_8#3 : vector<1x256xf32> to vector<1x256xf32>
    %broadcast_in_dim3A_18 = vector.broadcast %broadcast_in_dim3A_17 : vector<1x256xf32> to vector<64x256xf32>
    %sub3A_19 = arith.subf %get3A_1, %broadcast_in_dim3A_18 : vector<64x256xf32>
    %mul3A_20 = arith.mulf %sub3A_19, %sub3A_19 : vector<64x256xf32>
    %lt3A_21 = arith.cmpf olt, %mul3A_20, %select_n3A : vector<64x256xf32>
    %select_n3A_22 = arith.select %lt3A_21, %mul3A_20, %select_n3A : vector<64x256xi1>, vector<64x256xf32>
    %select_n3A_23 = arith.select %lt3A_21, %broadcast_in_dim3A_18, %select_n3A_16 : vector<64x256xi1>, vector<64x256xf32>
    %broadcast_in_dim3A_24 = vector.shape_cast %scan3A_8#4 : vector<1x256xf32> to vector<1x256xf32>
    %broadcast_in_dim3A_25 = vector.broadcast %broadcast_in_dim3A_24 : vector<1x256xf32> to vector<64x256xf32>
    %sub3A_26 = arith.subf %get3A_1, %broadcast_in_dim3A_25 : vector<64x256xf32>
    %mul3A_27 = arith.mulf %sub3A_26, %sub3A_26 : vector<64x256xf32>
    %lt3A_28 = arith.cmpf olt, %mul3A_27, %select_n3A_22 : vector<64x256xf32>
    %select_n3A_29 = arith.select %lt3A_28, %mul3A_27, %select_n3A_22 : vector<64x256xi1>, vector<64x256xf32>
    %select_n3A_30 = arith.select %lt3A_28, %broadcast_in_dim3A_25, %select_n3A_23 : vector<64x256xi1>, vector<64x256xf32>
    %broadcast_in_dim3A_31 = vector.shape_cast %scan3A_8#5 : vector<1x256xf32> to vector<1x256xf32>
    %broadcast_in_dim3A_32 = vector.broadcast %broadcast_in_dim3A_31 : vector<1x256xf32> to vector<64x256xf32>
    %sub3A_33 = arith.subf %get3A_1, %broadcast_in_dim3A_32 : vector<64x256xf32>
    %mul3A_34 = arith.mulf %sub3A_33, %sub3A_33 : vector<64x256xf32>
    %lt3A_35 = arith.cmpf olt, %mul3A_34, %select_n3A_29 : vector<64x256xf32>
    %select_n3A_36 = arith.select %lt3A_35, %mul3A_34, %select_n3A_29 : vector<64x256xi1>, vector<64x256xf32>
    %select_n3A_37 = arith.select %lt3A_35, %broadcast_in_dim3A_32, %select_n3A_30 : vector<64x256xi1>, vector<64x256xf32>
    %broadcast_in_dim3A_38 = vector.shape_cast %scan3A_8#6 : vector<1x256xf32> to vector<1x256xf32>
    %broadcast_in_dim3A_39 = vector.broadcast %broadcast_in_dim3A_38 : vector<1x256xf32> to vector<64x256xf32>
    %sub3A_40 = arith.subf %get3A_1, %broadcast_in_dim3A_39 : vector<64x256xf32>
    %mul3A_41 = arith.mulf %sub3A_40, %sub3A_40 : vector<64x256xf32>
    %lt3A_42 = arith.cmpf olt, %mul3A_41, %select_n3A_36 : vector<64x256xf32>
    %select_n3A_43 = arith.select %lt3A_42, %mul3A_41, %select_n3A_36 : vector<64x256xi1>, vector<64x256xf32>
    %select_n3A_44 = arith.select %lt3A_42, %broadcast_in_dim3A_39, %select_n3A_37 : vector<64x256xi1>, vector<64x256xf32>
    %broadcast_in_dim3A_45 = vector.shape_cast %scan3A_8#7 : vector<1x256xf32> to vector<1x256xf32>
    %broadcast_in_dim3A_46 = vector.broadcast %broadcast_in_dim3A_45 : vector<1x256xf32> to vector<64x256xf32>
    %sub3A_47 = arith.subf %get3A_1, %broadcast_in_dim3A_46 : vector<64x256xf32>
    %mul3A_48 = arith.mulf %sub3A_47, %sub3A_47 : vector<64x256xf32>
    %lt3A_49 = arith.cmpf olt, %mul3A_48, %select_n3A_43 : vector<64x256xf32>
    %select_n3A_50 = arith.select %lt3A_49, %mul3A_48, %select_n3A_43 : vector<64x256xi1>, vector<64x256xf32>
    %select_n3A_51 = arith.select %lt3A_49, %broadcast_in_dim3A_46, %select_n3A_44 : vector<64x256xi1>, vector<64x256xf32>
    %broadcast_in_dim3A_52 = vector.shape_cast %scan3A_8#8 : vector<1x256xf32> to vector<1x256xf32>
    %broadcast_in_dim3A_53 = vector.broadcast %broadcast_in_dim3A_52 : vector<1x256xf32> to vector<64x256xf32>
    %sub3A_54 = arith.subf %get3A_1, %broadcast_in_dim3A_53 : vector<64x256xf32>
    %mul3A_55 = arith.mulf %sub3A_54, %sub3A_54 : vector<64x256xf32>
    %lt3A_56 = arith.cmpf olt, %mul3A_55, %select_n3A_50 : vector<64x256xf32>
    %select_n3A_57 = arith.select %lt3A_56, %broadcast_in_dim3A_53, %select_n3A_51 : vector<64x256xi1>, vector<64x256xf32>
    %swap3A = arith.constant 0 : index
    %swap3A_58 = arith.constant 0 : index
    %swap3A_59 = vector.load %arg3[%swap3A, %swap3A_58] : memref<64x256xf32, #tpu.memory_space<vmem>>, vector<64x256xf32>
    tpu.vector_store %arg3[%swap3A, %swap3A_58], %select_n3A_57 {strides = array<i32>} : memref<64x256xf32, #tpu.memory_space<vmem>>, vector<64x256xf32>,
    return
  }
  func.func @transform_0(%arg0: i32) -> (i32, i32) {
    %c0_i32 = arith.constant 0 : i32
    %c0_i32_0 = arith.constant 0 : i32
    %c0_i32_1 = arith.constant 0 : i32
    return %c0_i32, %c0_i32_0 : i32, i32
  }
  func.func @transform_1(%arg0: i32) -> (i32, i32) {
    %c0_i32 = arith.constant 0 : i32
    %c0_i32_0 = arith.constant 0 : i32
    return %c0_i32, %arg0 : i32, i32
  }
  func.func @transform_2(%arg0: i32) -> (i32, i32) {
    %c0_i32 = arith.constant 0 : i32
    %c0_i32_0 = arith.constant 0 : i32
    return %c0_i32, %arg0 : i32, i32
  }
}

</mosaic_0001>

<sc_bundles>
// kernel: kernel.4.cloned.1.call-start
scs
__scs_entry_jumppad:
0x0: {  	(pc) =	sbr.rel $0x88, $3  }
0x1: {  	(tag) =	ssettag $0x0;
	lr =	simm.s32 $0x1  }
0x2: {  	[smem:$0x3F9F] =	sst lr;
	_ =	strace $0xD0000000  }
0x3: {  	_ = 	snop  }
0x4: {  	_ = 	snop  }
0x5: {  	_ = 	snop  }
0x6: {  	_ = 	snop  }
0x7: {  	_ = 	snop  }
__scs_overlays_trampoline_lowered:
0x8: {  	[smem:$0x3FAE] =	sst s0  }
0x9: {  	[smem:$0x3FAF] =	sst s1  }
0xa: {  	[smem:$0x3FB0] =	sst s2  }
0xb: {  	[smem:$0x3FB1] =	sst s3  }
0xc: {  	[smem:$0x3FB2] =	sst s4  }
0xd: {  	[smem:$0x3FB3] =	sst s5  }
0xe: {  	[smem:$0x3FB4] =	sst s6  }
0xf: {  	[smem:$0x3FB5] =	sst s7  }
0x10: {  	[smem:$0x3FB6] =	sst s8  }
0x11: {  	[smem:$0x3FB7] =	sst s9;
	s0 =	simm.s32 @!p0 $0x0  }
0x12: {  	s1 =	sld [smem:$0x3F9D];
	s0 =	simm.s32 @p0 $0x1  }
0x13: {  	[smem:$0x3FB8] =	sst s0;
	s0 =	simm.s32 @!p1 $0x0  }
0x14: {  	s2 =	sld [smem:$0x3F9C];
	s0 =	simm.s32 @p1 $0x1  }
0x15: {  	[smem:$0x3FB9] =	sst s0;
	s0 =	simm.s32 @!p2 $0x0  }
0x16: {  	s3 =	sld [smem:$0x3FDB];
	s0 =	simm.s32 @p2 $0x1  }
0x17: {  	s4 =	simm.s32 $0x1BF5;
	[smem:$0x3FBB] =	sst s0  }
0x18: {  	s0 =	sld [smem:$0x3F9E];
	_ =	swait.ge [sflag:s4], $0x0  }
0x19: {  	s7 =	sld [smem:$0x3F9F]  }
0x1a: {  	s8 =	sadd.s32 $0xFFFFE003, lr  }
0x1b: {  	s9 =	sadd.s32 $0xFFFFFEF7, lr;
	s5 =	simm.s32 $0xFFFFFFFF;
	p2 =	slt.u32 s8, $0xFFFFF086  }
0x1c: {  	p1 =	slt.u32 s9, $0xF7A;
	s5 =	simm.s32 @!p2 $0x0  }
0x1d: {  	s5 =	simm.s32 @p1 $0x1;
	p0 =	seq.s32 s7, s2  }
0x1e: {  	s7 =	smul.u32 @!p0 $0xF7A, s2;
	p2 =	seq.s32 @!p0 s5, $0x0  }
0x1f: {  	s9 =	smul.u32 $0xF7A, s1;
	s8 =	simm.s32 @!p0 $0x1BF5;
	p2 =	por !p2, p0  }
0x20: {  	[sflag:s8] =	ssyncset.s32 @!p0 $0xFFFFF086;
	s6 =	sadd.s32 @!p0 s3, s7;
	s7 =	simm.s32 @!p0 $0x108  }
0x21: {  	s3 =	sadd.s32 s3, s9;
	s6 =	sadd.s32 @!p0 $0x88, s6;
	s7 =	simm.s32 @p2 $0x1082  }
0x22: {  	[simem:s7], [sflag:s8] =	dma.local @!p0 [hbm:s6], $0xF7A  }
0x23: {  	s9 =	sor.u32 $0xD0000000, s2;
	s6 =	simm.s32 $0x108;
	_ =	swait.ge @!p0 [sflag:s8], $0x0  }
0x24: {  	s3 =	sadd.s32 $0x88, s3;
	s6 =	simm.s32 @!p1 $0x1082;
	[sflag:s4] =	ssyncset.s32 $0xFFFFF086  }
0x25: {  	[simem:s6], [sflag:s4] =	dma.local [hbm:s3], $0xF7A  }
0x26: {  	[smem:$0x3F9F] =	sst s1;
	(tag) =	ssettag s2;
	_ =	strace s9  }
0x27: {  	s1 =	sld [smem:$0x3FAF]  }
0x28: {  	s2 =	sld [smem:$0x3FB0]  }
0x29: {  	s4 =	sld [smem:$0x3FB2]  }
0x2a: {  	p0 =	seq.s32 s5, $0x0;
	s5 =	sld [smem:$0x3FB3]  }
0x2b: {  	s6 =	sld [smem:$0x3FB4]  }
0x2c: {  	s7 =	sld [smem:$0x3FB5]  }
0x2d: {  	s3 =	simm.s32 $0x108;
	s8 =	sld [smem:$0x3FB6]  }
0x2e: {  	s3 =	simm.s32 @!p0 $0x1082;
	s9 =	sld [smem:$0x3FB7]  }
0x2f: {  	lr =	sadd.s32 s0, s3;
	s0 =	sld [smem:$0x3FAE]  }
0x30: {  	s3 =	sld [smem:$0x3FB1]  }
0x31: {  	[smem:$0x3FBA] =	sst s10  }
0x32: {  	s10 =	sld [smem:$0x3FB8];
	_ =	sdelay $0x3  }
0x33: {  	p0 =	seq.s32 s10, $0x1;
	s10 =	sld [smem:$0x3FBA];
	_ =	sdelay $0x3  }
0x34: {  	[smem:$0x3FBA] =	sst s10  }
0x35: {  	s10 =	sld [smem:$0x3FB9];
	_ =	sdelay $0x3  }
0x36: {  	p1 =	seq.s32 s10, $0x1;
	s10 =	sld [smem:$0x3FBA];
	_ =	sdelay $0x3  }
0x37: {  	[smem:$0x3FBA] =	sst s10  }
0x38: {  	s10 =	sld [smem:$0x3FBB]  }
0x39: {  	_ = 	snop;
	(pc) =	sbr.ind lr, $3  }
0x3a: {  	_ = 	snop  }
0x3b: {  	_ = 	snop  }
0x3c: {  	p2 =	seq.s32 s10, $0x1;
	s10 =	sld [smem:$0x3FBA]  }
0x3d: {  	_ =	shalt  }
0x3e: {  	_ =	shalt  }
0x3f: {  	_ =	shalt  }
0x40: {  	_ =	shalt  }
0x41: {  	_ =	shalt  }
0x42: {  	_ =	shalt  }
0x43: {  	_ =	shalt  }
0x44: {  	_ =	shalt  }
0x45: {  	_ =	shalt  }
0x46: {  	_ =	shalt  }
0x47: {  	_ =	shalt  }
0x48: {  	_ =	shalt  }
0x49: {  	_ =	shalt  }
0x4a: {  	_ =	shalt  }
0x4b: {  	_ =	shalt  }
0x4c: {  	_ =	shalt  }
0x4d: {  	_ =	shalt  }
0x4e: {  	_ =	shalt  }
0x4f: {  	_ =	shalt  }
0x50: {  	_ =	shalt  }
0x51: {  	_ =	shalt  }
0x52: {  	_ =	shalt  }
0x53: {  	_ =	shalt  }
0x54: {  	_ =	shalt  }
0x55: {  	_ =	shalt  }
0x56: {  	_ =	shalt  }
0x57: {  	_ =	shalt  }
0x58: {  	_ =	shalt  }
0x59: {  	_ =	shalt  }
0x5a: {  	_ =	shalt  }
0x5b: {  	_ =	shalt  }
0x5c: {  	_ =	shalt  }
0x5d: {  	_ =	shalt  }
0x5e: {  	_ =	shalt  }
0x5f: {  	_ =	shalt  }
0x60: {  	_ =	shalt  }
0x61: {  	_ =	shalt  }
0x62: {  	_ =	shalt  }
0x63: {  	_ =	shalt  }
0x64: {  	_ =	shalt  }
0x65: {  	_ =	shalt  }
0x66: {  	_ =	shalt  }
0x67: {  	_ =	shalt  }
0x68: {  	_ =	shalt  }
0x69: {  	_ =	shalt  }
0x6a: {  	_ =	shalt  }
0x6b: {  	_ =	shalt  }
0x6c: {  	_ =	shalt  }
0x6d: {  	_ =	shalt  }
0x6e: {  	_ =	shalt  }
0x6f: {  	_ =	shalt  }
0x70: {  	_ =	shalt  }
0x71: {  	_ =	shalt  }
0x72: {  	_ =	shalt  }
0x73: {  	_ =	shalt  }
0x74: {  	_ =	shalt  }
0x75: {  	_ =	shalt  }
0x76: {  	_ =	shalt  }
0x77: {  	_ =	shalt  }
0x78: {  	_ =	shalt  }
0x79: {  	_ =	shalt  }
0x7a: {  	_ =	shalt  }
0x7b: {  	_ =	shalt  }
0x7c: {  	_ =	shalt  }
0x7d: {  	_ =	shalt  }
0x7e: {  	_ =	shalt  }
0x7f: {  	_ =	shalt  }
0x80: {  	_ =	shalt  }
0x81: {  	_ =	shalt  }
0x82: {  	_ =	shalt  }
0x83: {  	_ =	shalt  }
0x84: {  	_ =	shalt  }
0x85: {  	_ =	shalt  }
0x86: {  	_ =	shalt  }
0x87: {  	_ =	shalt  }
.Lfunc_end0:
.L_simem_size_0:
called_computation_lowered:
.L_overlay_start_0:
0x88: {  	s2 =	sld [smem:$0x3FD9]  }
0x89: {  	s3 =	sld [smem:$0x3FFE];
	_ =	sdelay $0x1  }
0x8a: {  	s1 =	srdreg.scid  }
0x8b: {  	s0 =	sand.u32 $0x1, s1  }
0x8c: {  	s17 =	sshll.u32 s0, $0xA;
	s2 =	sadd.s32 s3, s2  }
0x8d: {  	s2 =	sadd.s32 s2, s17  }
0x8e: {  	[smem:$0x3FC6] =	sst s2  }
0x8f: {  	_ = 	snop  }
0x90: {  	s2 =	sld [smem:$0x3FD0];
	(tm) =	ssettm $0x1  }
0x91: {  	s18 =	sld [smem:$0x3FFB];
	_ =	sdelay $0x3  }
0x92: {  	_ =	strace s18  }
0x93: {  	s3 =	sld [smem:$0x3FFC];
	_ =	sdelay $0x3  }
0x94: {  	_ =	strace s3  }
0x95: {  	s3 =	sld [smem:$0x3FFD];
	_ =	sdelay $0x3  }
0x96: {  	_ =	strace s3  }
0x97: {  	_ =	strace $0x8FFFFFFF  }
0x98: {  	s19 =	sld [smem:$0x3FDB];
	_ =	sdelay $0x1  }
0x99: {  	s4 =	simm.s32 $_scs_section_size  }
0x9a: {  	s5 =	simm.s32 $_size__tile_overlayer_lowered;
	s6 =	simm.s32 $_tile_overlayer_lowered  }
0x9b: {  	s22 =	simm.s32 $0x1BFF;
	s21 =	sshll.u32 s6, $0x1;
	s3 =	sadd.s32 s4, s19  }
0x9c: {  	s7 =	simm.s32 $0x0;
	s20 =	sshll.u32 s5, $0x1;
	s5 =	sadd.s32 s21, s3  }
0x9d: {  	[timem:s7], [sflag:s22] =	dma.local [hbm:s5], s20  }
0x9e: {  	_ =	swait.ge [sflag:s22], s20  }
0x9f: {  	s4 =	ssub.s32 $0x0, s20;
	[sflag:s22] =	ssyncset.done $0x0  }
0xa0: {  	[sflag:s22] =	ssyncadd.s32 s4;
	_ =	sdelay $0x1  }
0xa1: {  	s23 =	simm.s32 $0x1B8B  }
0xa2: {  	_ =	swait.ge [sflag:s23], $0x1  }
0xa3: {  	[sflag:s23] =	ssyncset.done $0x0  }
0xa4: {  	s25 =	simm.s32 $0x1B8E;
	s24 =	sld [smem:$0x3FFE];
	[sflag:s23] =	ssyncadd.s32 $0xFFFFFFFF  }
0xa5: {  	s26 =	simm.s32 $execute0_lowered;
	[smem:$0x3FD2] =	sst s25  }
0xa6: {  	s5 =	sshll.u32 s26, $0x1;
	_ =	strace $0x80000046;
	[dreg:$0x1] =	wrdreg $0xFFFFFFFF  }
0xa7: {  	s28 =	simm.s32 $_size_execute0_lowered;
	s3 =	sadd.s32 s3, s5;
	[dreg:$0x0] =	wrdreg $0x0  }
0xa8: {  	s5 =	sshll.u32 s28, $0x1;
	[dreg:$0x2] =	wrdreg s3  }
0xa9: {  	[dreg:$0x3] =	wrdreg s5  }
0xaa: {  	[dreg:$0x4] =	wrdreg $0xC0  }
0xab: {  	_ =	task [dreg:s7], $0x5FFFF  }
0xac: {  	[dreg:$0x1] =	wrdreg $0xFFFFFFFF  }
0xad: {  	[dreg:$0x0] =	wrdreg $0x60  }
0xae: {  	[dreg:$0x2] =	wrdreg s24  }
0xaf: {  	[dreg:$0x3] =	wrdreg s2  }
0xb0: {  	[dreg:$0x4] =	wrdreg $0x9  }
0xb1: {  	_ =	task.clear_ibuf [dreg:s7], $0x5FFFF;
	_ =	strace $0x90000046  }
0xb2: {  	s29 =	simm.s32 $0x9;
	_ =	strace $0x80000048  }
0xb3: {  	_ =	swait.ge [sflag:s29], $0x1  }
0xb4: {  	[sflag:s29] =	ssyncadd.s32 $0xFFFFFFFF  }
0xb5: {  	_ =	strace $0x90000048  }
0xb6: {  	_ =	sfence  }
0xb7: {  	s30 =	sld [smem:$0x0];
	_ =	sdelay $0x2  }
0xb8: {  	s31 =	sshll.u32 s1, $0xD;
	s1 =	sshrl.u32 s1, $0x2  }
0xb9: {  	s3 =	sand.u32 $0x4000, s31;
	s1 =	sadd.s32 s1, s30  }
0xba: {  	s0 =	sor.u32 s3, s0;
	s1 =	sshll.u32 s1, $0x11  }
0xbb: {  	s0 =	sor.u32 s1, s0  }
0xbc: {  	s0 =	sadd.s32 $0x8F2B, s0  }
0xbd: {  	[sflag:s0] =	ssyncadd.remote.s32 $0x1  }
0xbe: {  	_ =	sfence.sel $0xFFFF  }
0xbf: {  	[dreg:$0x0] =	wrdreg $0xFFFFFFFF;
	(pc) =	sbr.abs _section_cstart, $3  }
0xc0: {  	[dreg:$0x1] =	wrdreg $0xFFFFFFFF  }
0xc1: {  	_ =	task.clear_ibuf [dreg:s7], $0x2FFFF;
	_ =	strace $0x9FFFFFFF  }
0xc2: {  	(tm) =	ssettm $0x7FFFFFFF  }
0xc3: {  	_ =	shalt  }
tec
execute0_lowered:
.L_overlay_start_1:
0x0: {  	(tag) =	ssettag $0x1  }
0x1: {  	s4 =	rddreg [dreg:$0x0]  }
0x2: {  	s5 =	rddreg [dreg:$0x1]  }
0x3: {  	s0 =	rddreg [dreg:$0x2];
	s3 =	srdreg.scid  }
0x4: {  	s2 =	simm.s32 $0x0;
	s1 =	stileid.u32;
	s9 =	simm.s32 $0x400  }
0x5: {  	s10 =	simm.s32 $0x2400;
	s11 =	simm.s32 $0x0;
	s3 =	sand.u32 $0x1, s3  }
0x6: {  	[smem:$0x7FF] =	sst s2;
	s6 =	sshll.u32 s1, $0x8;
	s7 =	sshll.u32 s3, $0x7  }
0x7: {  	_ =	strace $0x80000047;
	s30 =	ssub.s32 $0x2, s3;
	s6 =	sor.u32 s7, s6  }
0x8: {  	s3 =	sadd.s32 $0x800, s4;
	s31 =	sshrl.u32 s30, $0x1;
	s8 =	sadd.s32 s6, s4  }
0x9: {  	s7 =	ssub.s32 s30, s31;
	s4 =	sadd.s32 s5, s6;
	s5 =	sadd.s32 $0xA00, s8  }
0xa: {  	s6 =	smax.u32 s7, $0x1;
	s7 =	simm.s32 $0x1;
	s8 =	simm.s32 $0x8000  }
.LBB2_1:
0xb: {  	[tilespmem:s2], [sflag:$0x1] =	stream.linear.gather [hbm4b:s3+s2], $0x400, $0x38;
	[tilespmem:$0x4400] =	vst v63  }
0xc: {  	_ =	swait.ge [sflag:s7], $0x400  }
0xd: {  	[sflag:s7] =	ssyncset.done $0x0  }
0xe: {  	[sflag:s7] =	ssyncadd.s32 $0xFFFFFC00  }
0xf: {  	[tilespmem:s9], [sflag:$0x1] =	stream.strided.gather [hbm4b:s4+s9], $0x2000, s8, s9, $0x38;
	[tilespmem:$0x4400] =	vst v63  }
0x10: {  	_ =	swait.ge [sflag:s7], $0x2000  }
0x11: {  	s12 =	simm.s32 $0x1400;
	s13 =	simm.s32 $0x400;
	[sflag:s7] =	ssyncset.done $0x0  }
0x12: {  	s14 =	simm.s32 $0x2400;
	s15 =	simm.s32 $0x0;
	[sflag:s7] =	ssyncadd.s32 $0xFFFFE000  }
.LBB2_2:
0x13: {  	v2 =	vmov s12;
	_ =	sdelay $0x2  }
0x14: {  	s16 =	simm.s32 $0x0;
	v1 =	vimm.f32 $+Inf;
	v0 =	vimm.s32 $0x0  }
.LBB2_3:
0x15: {  	_ = 	snop  }
0x16: {  	s17 =	sshll.u32 s16, $0x3  }
0x17: {  	s30 =	sshllo.u32 s16, $0x3;
	v3 =	vmov s17;
	s18 =	sor.u32 $0x1, s17  }
0x18: {  	s31 =	simm.s32 $0xFFFFF800;
	s25 =	sor.u32 $0x2, s17;
	s26 =	sor.u32 $0x3, s17;
	v12 =	vmov s30;
	v3 =	vbroadcast v3, $0x0;
	v4 =	vmov s18  }
0x19: {  	s28 =	sor.u32 $0x6, s17;
	s29 =	sor.u32 $0x5, s17;
	s17 =	sor.u32 $0x4, s17;
	v15 =	vld.idx.msk [tilespmem:v2+s31+$0x0 ss:$0x1], $0xffff;
	v5 =	vmov s25;
	v4 =	vbroadcast v4, $0x0  }
0x1a: {  	v11 =	vld.idx.msk [tilespmem:v2+s31+$0xFFFFF800 ss:$0x1], $0xffff;
	v9 =	vmov s17;
	v6 =	vbroadcast v5, $0x0  }
0x1b: {  	v16 =	vld.idx.msk [tilespmem:v2+s31+$0x1000 ss:$0x1], $0xffff;
	v13 =	vbroadcast v9, $0x0  }
0x1c: {  	v17 =	vld.idx.msk [tilespmem:v2+s31+$0x800 ss:$0x1], $0xffff  }
0x1d: {  	v5 =	vmov s26;
	v9 =	vld.idx.msk [tilespmem:v12+s2+$0x0], $0xffff  }
0x1e: {  	v7 =	vbroadcast v5, $0x0;
	v5 =	vmov s28;
	v3 =	vld.idx.msk [tilespmem:v3+s2+$0x0], $0xffff  }
0x1f: {  	v8 =	vbroadcast v5, $0x0;
	v5 =	vld.idx.msk [tilespmem:v4+s2+$0x0], $0xffff  }
0x20: {  	v6 =	vld.idx.msk [tilespmem:v6+s2+$0x0], $0xffff  }
0x21: {  	v12 =	vld.idx.msk [tilespmem:v13+s2+$0x0], $0xffff  }
0x22: {  	v4 =	vmov s29;
	v24 =	vsub.f32 v17, v9  }
0x23: {  	v4 =	vbroadcast v4, $0x0;
	v27 =	vsub.f32 v16, v9;
	v18 =	vsub.f32 v15, v3  }
0x24: {  	v7 =	vld.idx.msk [tilespmem:v7+s2+$0x0], $0xffff;
	v20 =	vsub.f32 v11, v3;
	v21 =	vsub.f32 v16, v3  }
0x25: {  	v31 =	vsub.f32 v17, v3;
	v14 =	vsub.f32 v15, v5  }
0x26: {  	v25 =	vsub.f32 v16, v6;
	v28 =	vsub.f32 v15, v12  }
0x27: {  	v8 =	vld.idx.msk [tilespmem:v8+s2+$0x0], $0xffff;
	v29 =	vsub.f32 v15, v6;
	v30 =	vsub.f32 v17, v6  }
0x28: {  	v36 =	vsub.f32 v16, v12;
	v32 =	vsub.f32 v17, v5  }
0x29: {  	v37 =	vsub.f32 v11, v5;
	v19 =	vsub.f32 v15, v7;
	v23 =	vmul.f32 v18, v18;
	v10 =	vld.idx.msk [tilespmem:v4+s2+$0x0], $0xffff  }
0x2a: {  	v18 =	vmul.f32 v20, v20;
	v20 =	vsub.f32 v16, v7;
	v39 =	vmul.f32 v21, v21  }
0x2b: {  	v35 =	vsub.f32 v17, v7;
	v4 =	vimm.f32 $0.0e+00;
	v29 =	vmul.f32 v29, v29  }
0x2c: {  	v13 =	vsub.f32 v15, v8;
	v28 =	vmul.f32 v28, v28;
	v33 =	vmul.f32 v25, v25  }
0x2d: {  	v21 =	vsub.f32 v16, v8;
	v37 =	vmul.f32 v37, v37;
	v26 =	vmul.f32 v19, v19  }
0x2e: {  	v22 =	vmul.f32 v20, v20;
	v19 =	vsub.f32 v16, v10;
	v34 =	vsub.f32 v15, v10  }
0x2f: {  	v35 =	vmul.f32 v35, v35;
	v40 =	vsub.f32 v11, v10;
	v16 =	vsub.f32 v16, v5  }
0x30: {  	v38 =	vsub.f32 v17, v10;
	v20 =	vmul.f32 v19, v19;
	v19 =	vmul.f32 v21, v21  }
0x31: {  	v15 =	vsub.f32 v15, v9;
	v21 =	vmul.f32 v27, v27;
	v27 =	vmul.f32 v14, v14  }
0x32: {  	v14 =	vmul.f32 v24, v24;
	v24 =	vmul.f32 v31, v31;
	v31 =	vsub.f32 v11, v12  }
0x33: {  	v16 =	vmul.f32 v16, v16;
	v23 =	vmin.f32 v23, v27;
	v27 =	vmul.f32 v36, v36  }
0x34: {  	v25 =	vmul.f32 v31, v31;
	v36 =	vsub.f32 v11, v8;
	v31 =	vmul.f32 v30, v30  }
0x35: {  	v30 =	vmul.f32 v40, v40;
	v40 =	vsub.f32 v11, v7;
	v39 =	vmin.f32 v39, v16  }
0x36: {  	v16 =	vimm.f32 $0.0e+00;
	v23 =	vmin.f32 v23, v29;
	v29 =	vsub.f32 v11, v6  }
0x37: {  	v23 =	vmin.f32 v23, v26;
	v26 =	vsub.f32 v17, v12;
	v17 =	vsub.f32 v17, v8  }
0x38: {  	v29 =	vmul.f32 v29, v29;
	v23 =	vmin.f32 v23, v28;
	v28 =	vmul.f32 v34, v34  }
0x39: {  	v34 =	vmul.f32 v26, v26;
	v26 =	vmul.f32 v17, v17;
	v17 =	vimm.f32 $0.0e+00  }
0x3a: {  	s17 =	simm.s32 $0xFFFFE200;
	v28 =	vmin.f32 v23, v28;
	v23 =	vmul.f32 v15, v15;
	v15 =	vimm.f32 $0.0e+00  }
.LBB2_4:
0x3b: {  	s18 =	sshra.s32 s17, $0x2;
	p0 =	sne.s32 s17, $0xFFFFFE00;
	s17 =	sadd.s32 $0x200, s17;
	v40 =	vmul.f32 v40, v40;
	v41 =	vsub.f32 v11, v9;
	v38 =	vmul.f32 v38, v38  }
0x3c: {  	v36 =	vmul.f32 v36, v36;
	v32 =	vmul.f32 v32, v32;
	v33 =	vmin.f32 v39, v33;
	v42 =	vld.idx.msk [tilespmem:v2+s18+$0x0 ss:$0x1], $0xffff  }
0x3d: {  	v18 =	vmin.f32 v18, v37;
	v22 =	vmin.f32 v33, v22;
	v11 =	vld.idx.msk [tilespmem:v2+s18+$0xFFFFF800 ss:$0x1], $0xffff;
	v37 =	vmul.f32 v41, v41  }
0x3e: {  	v18 =	vmin.f32 v18, v29;
	v24 =	vmin.f32 v24, v32;
	v22 =	vmin.f32 v22, v27;
	v39 =	vld.idx.msk [tilespmem:v2+s18+$0x800 ss:$0x1], $0xffff  }
0x3f: {  	v18 =	vmin.f32 v18, v40;
	v24 =	vmin.f32 v24, v31;
	v20 =	vmin.f32 v22, v20;
	v41 =	vld.idx.msk [tilespmem:v2+s18+$0x1000 ss:$0x1], $0xffff  }
0x40: {  	v18 =	vmin.f32 v18, v25;
	v22 =	vmul.f32 v13, v13;
	v13 =	vmin.f32 v20, v19  }
0x41: {  	v18 =	vmin.f32 v18, v30;
	v19 =	vmin.f32 v24, v35;
	v13 =	vmin.f32 v13, v21  }
0x42: {  	v19 =	vmin.f32 v19, v34;
	v24 =	vsub.f32 v42, v5;
	v4 =	vadd.f32 v13, v4  }
0x43: {  	v20 =	vsub.f32 v42, v3;
	v21 =	vsub.f32 v42, v7;
	v19 =	vmin.f32 v19, v38  }
0x44: {  	v27 =	vmin.f32 v18, v36;
	v13 =	vsub.f32 v42, v8;
	v25 =	vsub.f32 v11, v3  }
0x45: {  	v28 =	vmin.f32 v28, v22;
	v29 =	vmul.f32 v20, v20;
	v20 =	vsub.f32 v41, v3  }
0x46: {  	v19 =	vmin.f32 v19, v26;
	v18 =	vmul.f32 v25, v25;
	v22 =	vsub.f32 v41, v7  }
0x47: {  	v25 =	vsub.f32 v41, v6;
	v43 =	vmul.f32 v20, v20;
	v20 =	vmin.f32 v27, v37  }
0x48: {  	v26 =	vmul.f32 v21, v21;
	v21 =	vsub.f32 v41, v8;
	v17 =	vadd.f32 v20, v17  }
0x49: {  	v14 =	vmin.f32 v19, v14;
	v22 =	vmul.f32 v22, v22;
	v20 =	vsub.f32 v41, v10  }
0x4a: {  	v19 =	vmin.f32 v28, v23;
	v30 =	vsub.f32 v41, v9;
	v27 =	vsub.f32 v39, v9  }
0x4b: {  	v23 =	vsub.f32 v42, v12;
	v15 =	vadd.f32 v19, v15;
	v20 =	vmul.f32 v20, v20  }
0x4c: {  	v28 =	vsub.f32 v42, v6;
	v16 =	vadd.f32 v14, v16;
	v19 =	vmul.f32 v21, v21  }
0x4d: {  	v34 =	vsub.f32 v42, v10;
	v31 =	vsub.f32 v39, v6;
	v21 =	vmul.f32 v30, v30  }
0x4e: {  	v24 =	vmul.f32 v24, v24;
	v30 =	vsub.f32 v39, v3;
	v14 =	vmul.f32 v27, v27  }
0x4f: {  	v35 =	vsub.f32 v41, v12;
	v27 =	vmul.f32 v28, v28;
	v28 =	vsub.f32 v39, v7  }
0x50: {  	v40 =	vsub.f32 v11, v10;
	v29 =	vmin.f32 v29, v24;
	v24 =	vmul.f32 v30, v30  }
0x51: {  	v23 =	vmul.f32 v23, v23;
	v30 =	vsub.f32 v11, v12;
	v27 =	vmin.f32 v29, v27  }
0x52: {  	v32 =	vsub.f32 v39, v5;
	v33 =	vmul.f32 v25, v25;
	v29 =	vsub.f32 v11, v6  }
0x53: {  	v44 =	vsub.f32 v39, v12;
	v26 =	vmin.f32 v27, v26;
	v27 =	vmul.f32 v35, v35  }
0x54: {  	v25 =	vmul.f32 v30, v30;
	v30 =	vsub.f32 v41, v5;
	v29 =	vmul.f32 v29, v29  }
0x55: {  	v36 =	vsub.f32 v11, v8;
	v31 =	vmul.f32 v31, v31;
	v35 =	vsub.f32 v11, v5  }
.Ltmp0:
0x56: {  	v38 =	vsub.f32 v39, v10;
	v23 =	vmin.f32 v26, v23;
	v41 =	vmul.f32 v30, v30;
	(pc) =	sbr.rel @p0 .LBB2_4-.Ltmp0, $4  }
0x57: {  	v30 =	vmul.f32 v40, v40;
	v26 =	vsub.f32 v39, v8;
	v37 =	vmul.f32 v35, v35  }
0x58: {  	v42 =	vsub.f32 v42, v9;
	v39 =	vmul.f32 v34, v34;
	v34 =	vmul.f32 v44, v44  }
0x59: {  	v40 =	vsub.f32 v11, v7;
	v35 =	vmul.f32 v28, v28;
	v26 =	vmul.f32 v26, v26  }
0x5a: {  	v28 =	vmin.f32 v23, v39;
	v23 =	vmul.f32 v42, v42;
	v39 =	vmin.f32 v43, v41  }
0x5b: {  	v3 =	vmul.f32 v40, v40  }
0x5c: {  	v5 =	vsub.f32 v11, v9;
	v6 =	vmul.f32 v38, v38;
	v7 =	vmul.f32 v36, v36  }
0x5d: {  	v8 =	vmul.f32 v32, v32;
	v59 =	vmin.f32 v39, v33;
	v10 =	vmin.f32 v18, v37  }
0x5e: {  	v60 =	vmul.f32 v13, v13;
	v9 =	vmin.f32 v59, v22;
	v10 =	vmin.f32 v10, v29  }
0x5f: {  	v5 =	vmul.f32 v5, v5;
	v8 =	vmin.f32 v24, v8;
	v9 =	vmin.f32 v9, v27  }
0x60: {  	v3 =	vmin.f32 v10, v3;
	v61 =	vmin.f32 v28, v60;
	v8 =	vmin.f32 v8, v31  }
0x61: {  	v9 =	vmin.f32 v9, v20;
	v3 =	vmin.f32 v3, v25;
	v8 =	vmin.f32 v8, v35  }
0x62: {  	v63 =	vmin.f32 v61, v23;
	v3 =	vmin.f32 v3, v30;
	v8 =	vmin.f32 v8, v34  }
0x63: {  	v9 =	vmin.f32 v9, v19;
	v3 =	vmin.f32 v3, v7;
	v6 =	vmin.f32 v8, v6  }
0x64: {  	v9 =	vmin.f32 v9, v21;
	v3 =	vmin.f32 v3, v5;
	v6 =	vmin.f32 v6, v26  }
0x65: {  	v4 =	vadd.f32 v9, v4;
	v3 =	vadd.f32 v3, v17;
	v62 =	vmin.f32 v6, v14  }
0x66: {  	v6 =	vadd.f32 v63, v15;
	v5 =	vadd.f32 v62, v16;
	_ =	sdelay $0x1  }
0x67: {  	v3 =	vadd.f32 v6, v3;
	v4 =	vadd.f32 v4, v5;
	_ =	sdelay $0x1  }
0x68: {  	v3 =	vadd.f32 v4, v3;
	_ =	sdelay $0x1  }
0x69: {  	vm0 =	vlt.f32 v3, v1  }
0x6a: {  	v0 =	vsel vm0, s16, v0;
	s16 =	sadd.s32 $0x1, s16  }
0x6b: {  	p0 =	sne.s32 s16, $0x80  }
.Ltmp1:
0x6c: {  	_ = 	snop;
	(pc) =	sbr.rel @p0 .LBB2_3-.Ltmp1, $2  }
0x6d: {  	_ =	sdelay $0x2  }
0x6e: {  	v1 =	vsel vm0, v3, v1  }
0x6f: {  	v0 =	vshll.u32 v0, $0x3  }
0x70: {  	v1 =	vor.u32 $0x1, v0  }
0x71: {  	v3 =	vor.u32 $0x3, v0  }
0x72: {  	v9 =	vor.u32 $0x5, v0  }
0x73: {  	s16 =	simm.s32 $0x0;
	v2 =	vor.u32 $0x2, v0  }
0x74: {  	v4 =	vor.u32 $0x4, v0;
	v5 =	vld.idx.msk [tilespmem:v0+s16+$0x0], $0xffff  }
0x75: {  	v8 =	vld.idx.msk [tilespmem:v1+s16+$0x0], $0xffff;
	v1 =	vor.u32 $0x6, v0  }
0x76: {  	v0 =	vor.u32 $0x7, v0;
	v6 =	vld.idx.msk [tilespmem:v3+s16+$0x0], $0xffff  }
0x77: {  	v3 =	vld.idx.msk [tilespmem:v9+s16+$0x0], $0xffff;
	v9 =	vmov s13  }
0x78: {  	v7 =	vld.idx.msk [tilespmem:v2+s16+$0x0], $0xffff  }
0x79: {  	v4 =	vld.idx.msk [tilespmem:v4+s16+$0x0], $0xffff  }
0x7a: {  	v2 =	vld.idx.msk [tilespmem:v1+s16+$0x0], $0xffff  }
0x7b: {  	s17 =	simm.s32 $0x200;
	v0 =	vld.idx.msk [tilespmem:v0+s16+$0x0], $0xffff;
	v1 =	vmov s14;
	s16 =	simm.s32 $0x0  }
.LBB2_7:
0x7c: {  	p0 =	sne.s32 s17, $0x7E00;
	v10 =	vld.idx.msk [tilespmem:v9+s16+$0x0 ss:$0x1], $0xffff;
	_ =	sdelay $0x5  }
0x7d: {  	v11 =	vsub.f32 v10, v5;
	v12 =	vsub.f32 v10, v8;
	_ =	sdelay $0x1  }
0x7e: {  	v13 =	vsub.f32 v10, v7;
	v11 =	vmul.f32 v11, v11;
	v12 =	vmul.f32 v12, v12;
	_ =	sdelay $0x1  }
0x7f: {  	v14 =	vsub.f32 v10, v6;
	v13 =	vmul.f32 v13, v13;
	vm0 =	vlt.f32 v12, v11  }
0x80: {  	v11 =	vsel vm0, v12, v11  }
0x81: {  	v12 =	vmul.f32 v14, v14;
	v14 =	vsub.f32 v10, v4;
	vm1 =	vlt.f32 v13, v11  }
0x82: {  	v11 =	vsel vm1, v13, v11  }
0x83: {  	v13 =	vmul.f32 v14, v14;
	v14 =	vsub.f32 v10, v3;
	vm2 =	vlt.f32 v12, v11  }
0x84: {  	v11 =	vsel vm2, v12, v11  }
0x85: {  	v12 =	vmul.f32 v14, v14;
	v14 =	vsub.f32 v10, v2;
	vm3 =	vlt.f32 v13, v11  }
0x86: {  	v15 =	vsel vm0, v8, v5;
	v10 =	vsub.f32 v10, v0;
	v11 =	vsel vm3, v13, v11  }
0x87: {  	v13 =	vsel vm1, v7, v15;
	v14 =	vmul.f32 v14, v14;
	vm0 =	vlt.f32 v12, v11  }
0x88: {  	v13 =	vsel vm2, v6, v13;
	v11 =	vsel vm0, v12, v11  }
.Ltmp2:
0x89: {  	v10 =	vmul.f32 v10, v10;
	v12 =	vsel vm3, v4, v13;
	vm1 =	vlt.f32 v14, v11;
	(pc) =	sbr.rel @p0 .LBB2_7-.Ltmp2, $4  }
0x8a: {  	v12 =	vsel vm0, v3, v12;
	v11 =	vsel vm1, v14, v11  }
0x8b: {  	v12 =	vsel vm1, v2, v12;
	vm0 =	vlt.f32 v10, v11  }
0x8c: {  	v10 =	vsel vm0, v0, v12  }
0x8d: {  	[tilespmem:v1+s16+$0x0 ss:$0x1] =	vst.idx.msk $0xffff, v10;
	s16 =	sshra.s32 s17, $0x2;
	s17 =	sadd.s32 $0x200, s17  }
0x8e: {  	_ =	sdelay $0x3  }
0x8f: {  	v9 =	vld.idx.msk [tilespmem:v9+s16+$0x0 ss:$0x1], $0xffff;
	_ =	sdelay $0x4  }
0x90: {  	v10 =	vsub.f32 v9, v5;
	v11 =	vsub.f32 v9, v8;
	_ =	sdelay $0x1  }
0x91: {  	v12 =	vsub.f32 v9, v7;
	v10 =	vmul.f32 v10, v10;
	v11 =	vmul.f32 v11, v11;
	_ =	sdelay $0x1  }
0x92: {  	v13 =	vsub.f32 v9, v6;
	v12 =	vmul.f32 v12, v12;
	vm0 =	vlt.f32 v11, v10  }
0x93: {  	v10 =	vsel vm0, v11, v10  }
0x94: {  	v49 =	vsub.f32 v9, v4;
	v48 =	vmul.f32 v13, v13;
	vm1 =	vlt.f32 v12, v10  }
0x95: {  	v10 =	vsel vm1, v12, v10  }
0x96: {  	v51 =	vsub.f32 v9, v3;
	v50 =	vmul.f32 v49, v49;
	vm2 =	vlt.f32 v48, v10  }
0x97: {  	v10 =	vsel vm2, v48, v10  }
0x98: {  	v53 =	vsub.f32 v9, v2;
	v52 =	vmul.f32 v51, v51;
	vm3 =	vlt.f32 v50, v10  }
0x99: {  	v9 =	vsub.f32 v9, v0;
	v54 =	vsel vm0, v8, v5;
	v55 =	vsel vm3, v50, v10  }
0x9a: {  	s15 =	sadd.s32 $0x1, s15;
	v56 =	vmul.f32 v53, v53;
	v5 =	vsel vm1, v7, v54;
	vm13 =	vlt.f32 v52, v55  }
0x9b: {  	p0 =	sne.s32 s15, $0x8;
	v5 =	vsel vm2, v6, v5;
	v57 =	vsel vm13, v52, v55  }
.Ltmp3:
0x9c: {  	v59 =	vmul.f32 v9, v9;
	v58 =	vsel vm3, v4, v5;
	vm14 =	vlt.f32 v56, v57;
	(pc) =	sbr.rel @p0 .LBB2_2-.Ltmp3, $4  }
0x9d: {  	v60 =	vsel vm13, v3, v58;
	v61 =	vsel vm14, v56, v57  }
0x9e: {  	v62 =	vsel vm14, v2, v60;
	vm15 =	vlt.f32 v59, v61  }
0x9f: {  	v63 =	vsel vm15, v0, v62  }
0xa0: {  	s12 =	sadd.s32 $0x10, s12;
	s14 =	sadd.s32 $0x10, s14;
	s13 =	sadd.s32 $0x10, s13;
	[tilespmem:v1+s16+$0x0 ss:$0x1] =	vst.idx.msk $0xffff, v63  }
0xa1: {  	s11 =	sadd.s32 $0x1, s11  }
0xa2: {  	p0 =	sne.s32 s11, s6  }
.Ltmp4:
0xa3: {  	_ = 	snop;
	(pc) =	sbr.rel @p0 .LBB2_1-.Ltmp4, $4  }
0xa4: {  	[hbm4b:s5+s9] =	stream.strided.scatter [tilespmem:s10], [sflag:$0x1], $0x2000, s8, s9, $0x38;
	[tilespmem:$0x4400] =	vst v63  }
0xa5: {  	_ =	swait.ge [sflag:s7], $0x2000  }
0xa6: {  	[sflag:s7] =	ssyncset.done $0x0  }
0xa7: {  	[sflag:s7] =	ssyncadd.s32 $0xFFFFE000  }
0xa8: {  	_ =	sfence.sel $0x180000  }
0xa9: {  	[bflag:$0x0] =	sbarrier.arrive $0xFFFF  }
0xaa: {  	p0 =	sne.s32 s1, $0x0;
	_ =	strace $0x90000047  }
0xab: {  	s0 =	sadd.s32 @!p0 $0x100000, s0;
	[bflag:$0x2] =	sbarrier.arrive $0xFFFF  }
0xac: {  	[sflag:s0] =	ssyncadd.tile.s32 @!p0 $0x1;
	_ =	shalt  }
.Lfunc_end2:
_tile_overlayer_lowered:
.L_overlay_start_2:
0xad: {  	(tag) =	ssettag $0x2  }
0xae: {  	s0 =	rddreg [dreg:$0x0];
	s2 =	stileid.u32  }
0xaf: {  	s1 =	rddreg [dreg:$0x1];
	p0 =	sne.s32 s2, $0x0  }
0xb0: {  	s3 =	rddreg [dreg:$0x2];
	[bflag:$0x3] =	sbarrier.arrive $0xFFFF;
	s2 =	simm.s32 @!p0 $0x1C02  }
0xb1: {  	[timem:s3], [sflag:s2] =	dma.local @!p0 [hbm:s0], s1  }
0xb2: {  	s0 =	simm.s32 @!p0 $0x2  }
0xb3: {  	_ =	swait.ge @!p0 [sflag:s0], s1  }
0xb4: {  	s1 =	ssub.s32 @!p0 $0x0, s1;
	[sflag:s0] =	ssyncset.done @!p0 $0x0  }
0xb5: {  	[sflag:s0] =	ssyncadd.s32 @!p0 s1  }
0xb6: {  	[bflag:$0x3] =	sbarrier.arrive $0xFFFF  }
0xb7: {  	_ =	shalt  }

</sc_bundles>
